<compile_context>
chip_gen: v7x
topology: tpu7x:2x2x1
jax: 0.10.2.dev20260603
libtpu: 0.0.44.dev20260713+nightly
codegen_flags: <defaults>
</compile_context>

<pallas_src>
import functools

import jax
import jax.numpy as jnp
from jax import lax
from jax.experimental import pallas as pl
from jax.experimental.pallas import tpu as pltpu
from jax.experimental.pallas import tpu_sc as plsc

VOCAB = 1000000
EMBED_DIM = 64
WIDE = 128
BATCH = 4096
HIST = 200
TOT = BATCH * HIST

_info = plsc.get_sparse_core_info()
_NCORES = _info.num_cores
_NSUB = _info.num_subcores
NW = _NCORES * _NSUB
PER = TOT // NW
CHUNK = 128
NSTEPS = PER // CHUNK
NBUF = 4
LOOKAHEAD = 2

_mesh = plsc.VectorSubcoreMesh(core_axis_name="c", subcore_axis_name="s")


@functools.partial(
    pl.kernel,
    mesh=_mesh,
    out_type=jax.ShapeDtypeStruct((TOT, WIDE), jnp.float32),
    scratch_types=[
        pltpu.VMEM((PER,), jnp.int32),
        pltpu.VMEM((NBUF, CHUNK, WIDE), jnp.float32),
        pltpu.SemaphoreType.DMA((NBUF,)),
        pltpu.SemaphoreType.DMA((NBUF,)),
        pltpu.SemaphoreType.DMA,
    ],
)
def _sc_gather(idx_hbm, table_hbm, out_hbm, idx_v, rows_v, gsem, ssem, isem):
    wid = lax.axis_index("s") * _NCORES + lax.axis_index("c")
    base = wid * PER

    pltpu.async_copy(idx_hbm.at[pl.ds(base, PER)], idx_v, isem).wait()

    def issue_gather(k, slot):
        pltpu.async_copy(
            table_hbm.at[idx_v.at[pl.ds(k * CHUNK, CHUNK)]],
            rows_v.at[slot],
            gsem.at[slot],
        )

    def gather_wait(slot):
        pltpu.make_async_copy(
            table_hbm.at[pl.ds(0, CHUNK)], rows_v.at[slot], gsem.at[slot]
        ).wait()

    def issue_store(k, slot):
        pltpu.async_copy(
            rows_v.at[slot], out_hbm.at[pl.ds(base + k * CHUNK, CHUNK)],
            ssem.at[slot],
        )

    def store_wait(slot):
        pltpu.make_async_copy(
            table_hbm.at[pl.ds(0, CHUNK)], rows_v.at[slot], ssem.at[slot]
        ).wait()

    for k in range(LOOKAHEAD):
        issue_gather(k, k % NBUF)
    for k in range(LOOKAHEAD):
        slot = k % NBUF
        gather_wait(slot)
        issue_store(k, slot)
        issue_gather(k + LOOKAHEAD, (k + LOOKAHEAD) % NBUF)

    n_main = NSTEPS - 2 * LOOKAHEAD
    assert n_main % NBUF == 0

    def outer(m, carry):
        k0 = LOOKAHEAD + m * NBUF
        for b in range(NBUF):
            slot = (LOOKAHEAD + b) % NBUF
            k = k0 + b
            gather_wait(slot)
            issue_store(k, slot)
            nslot = b
            store_wait(nslot)
            issue_gather(k + LOOKAHEAD, nslot)
        return carry

    lax.fori_loop(0, n_main // NBUF, outer, 0)

    for k in range(NSTEPS - LOOKAHEAD, NSTEPS):
        slot = k % NBUF
        gather_wait(slot)
        issue_store(k, slot)

    for b in range(NBUF):
        store_wait(b)


def kernel(input, table):
    idx = input.reshape(TOT).astype(jnp.int32)
    wide = jnp.concatenate(
        [table, jnp.zeros((VOCAB, WIDE - EMBED_DIM), jnp.float32)], axis=1
    )
    out = _sc_gather(idx, wide)
    return out[:, :EMBED_DIM].reshape(BATCH, HIST, EMBED_DIM)

# --- scband reference (transcript-rebuilt; emitter-appended) ---
"""Pipeline reference for scband-embedding-packable-44367012168314 (READ-ONLY COPY).

The authoritative reference and input builder live on the scoring server;
editing this copy changes nothing except your own understanding.
"""

import jax, jax.numpy as jnp
import numpy as np

VOCAB = 1000000
EMBED_DIM = 64
BATCH = 4096
HIST = 200

def setup_inputs(seed: int = 0) -> dict:
    key = jax.random.key(seed)
    k_idx, k_tab = jax.random.split(key)
    indices = jax.random.randint(k_idx, (BATCH, HIST), 0, VOCAB, dtype=jnp.int64 if jax.config.jax_enable_x64 else jnp.int32)
    table = jax.random.normal(k_tab, (VOCAB, EMBED_DIM), dtype=jnp.float32)
    return {"input": indices, "table": table}

def reference(input, table):
    # EmbeddingPackable with a plain tensor input: just the embedding lookup.
    return jnp.take(table, input, axis=0)

if __name__ == "__main__":
    import jax
    _d = setup_inputs()
    print(jax.jit(kernel)(*tuple(_d.values())))

</pallas_src>

<mosaic_0001>
#map = affine_map<(d0, d1) -> (0)>
#map1 = affine_map<(d0, d1) -> (0, 0)>
module attributes {stable_mosaic.version = 14 : i64} {
  func.func @_sc_gather(%arg0: i32, %arg1: i32, %arg2: memref<819200xi32, #tpu.memory_space<hbm>>, %arg3: memref<1000000x128xf32, #tpu.memory_space<hbm>>, %arg4: memref<819200x128xf32, #tpu.memory_space<hbm>>, %arg5: memref<25600xi32, #tpu.memory_space<vmem>>, %arg6: memref<4x128x128xf32, #tpu.memory_space<vmem>>, %arg7: memref<4x!tpu.dma_semaphore, #tpu.memory_space<semaphore_mem>>, %arg8: memref<4x!tpu.dma_semaphore, #tpu.memory_space<semaphore_mem>>, %arg9: memref<!tpu.dma_semaphore, #tpu.memory_space<semaphore_mem>>) attributes {dimension_semantics = [#tpu.dimension_semantics<core_parallel>, #tpu.dimension_semantics<subcore_parallel>], iteration_bounds = array<i64: 2, 16>, scalar_prefetch = 0 : i64, scratch_operands = 5 : i64, tpu.core_type = #tpu.core_type<sc_vector_subcore>, window_params = [{transform_indices = #map}, {transform_indices = #map1}, {transform_indices = #map1}]} {
    %mul3A = arith.constant 2 : i32
    %mul3A_0 = arith.muli %arg1, %mul3A : i32
    %add3A = arith.addi %mul3A_0, %arg0 : i32
    %mul3A_1 = arith.constant 25600 : i32
    %mul3A_2 = arith.muli %add3A, %mul3A_1 : i32
    %dma_start3A = tpu.memref_slice %arg2[%mul3A_2] : memref<819200xi32, #tpu.memory_space<hbm>> -> memref<25600xi32, #tpu.memory_space<hbm>>
    %dma_start3A_3 = tpu.memref_slice %arg2[%mul3A_2] : memref<819200xi32, #tpu.memory_space<hbm>> -> memref<25600xi32, #tpu.memory_space<hbm>>
    tpu.enqueue_dma source(%dma_start3A_3 : memref<25600xi32, #tpu.memory_space<hbm>>) target(%arg5 : memref<25600xi32, #tpu.memory_space<vmem>>) target_semaphore(%arg9 : memref<!tpu.dma_semaphore, #tpu.memory_space<semaphore_mem>>)
    %dma_wait3A = tpu.memref_slice %arg2[%mul3A_2] : memref<819200xi32, #tpu.memory_space<hbm>> -> memref<25600xi32, #tpu.memory_space<hbm>>
    %dma_wait3A_4 = tpu.memref_slice %arg2[%mul3A_2] : memref<819200xi32, #tpu.memory_space<hbm>> -> memref<25600xi32, #tpu.memory_space<hbm>>
    tpu.wait_dma2 semaphore(%arg9 : memref<!tpu.dma_semaphore, #tpu.memory_space<semaphore_mem>>) src(%dma_wait3A_4 : memref<25600xi32, #tpu.memory_space<hbm>>) dst(%arg5 : memref<25600xi32, #tpu.memory_space<vmem>>)
    %dma_start3A_5 = arith.constant 0 : i32
    %dma_start3A_6 = arith.constant 0 : i32
    %dma_start3A_7 = arith.constant 0 : i32
    %dma_start3A_8 = arith.constant 0 : i32
    %dma_start3A_9 = tpu.memref_slice %arg6[%dma_start3A_5, %dma_start3A_7, %dma_start3A_8] : memref<4x128x128xf32, #tpu.memory_space<vmem>> -> memref<1x128x128xf32, #tpu.memory_space<vmem>>
    %dma_start3A_10 = tpu.memref_squeeze %dma_start3A_9 : memref<1x128x128xf32, #tpu.memory_space<vmem>> -> memref<128x128xf32, #tpu.memory_space<vmem>>
    %dma_start3A_11 = arith.constant 0 : i32
    %dma_start3A_12 = tpu.memref_slice %arg5[%dma_start3A_11] : memref<25600xi32, #tpu.memory_space<vmem>> -> memref<128xi32, #tpu.memory_space<vmem>>
    %dma_start3A_13 = arith.constant 0 : i32
    %dma_start3A_14 = arith.constant 0 : i32
    %dma_start3A_15 = tpu.memref_slice %arg3[%dma_start3A_13, %dma_start3A_14] : memref<1000000x128xf32, #tpu.memory_space<hbm>> -> memref<1000000x128xf32, #tpu.memory_space<hbm>>
    %dma_start3A_16 = tpu.memref_slice %arg7[%dma_start3A_6] : memref<4x!tpu.dma_semaphore, #tpu.memory_space<semaphore_mem>> -> memref<1x!tpu.dma_semaphore, #tpu.memory_space<semaphore_mem>>
    %dma_start3A_17 = tpu.memref_squeeze %dma_start3A_16 : memref<1x!tpu.dma_semaphore, #tpu.memory_space<semaphore_mem>> -> memref<!tpu.dma_semaphore, #tpu.memory_space<semaphore_mem>>
    tpu.enqueue_indirect_dma source(%dma_start3A_15 : memref<1000000x128xf32, #tpu.memory_space<hbm>>) target(%dma_start3A_10 : memref<128x128xf32, #tpu.memory_space<vmem>>) offsets(%dma_start3A_12 : memref<128xi32, #tpu.memory_space<vmem>>) semaphore(%dma_start3A_17 : memref<!tpu.dma_semaphore, #tpu.memory_space<semaphore_mem>>)
    %dma_start3A_18 = arith.constant 1 : i32
    %dma_start3A_19 = arith.constant 1 : i32
    %dma_start3A_20 = arith.constant 0 : i32
    %dma_start3A_21 = arith.constant 0 : i32
    %dma_start3A_22 = tpu.memref_slice %arg6[%dma_start3A_18, %dma_start3A_20, %dma_start3A_21] : memref<4x128x128xf32, #tpu.memory_space<vmem>> -> memref<1x128x128xf32, #tpu.memory_space<vmem>>
    %dma_start3A_23 = tpu.memref_squeeze %dma_start3A_22 : memref<1x128x128xf32, #tpu.memory_space<vmem>> -> memref<128x128xf32, #tpu.memory_space<vmem>>
    %dma_start3A_24 = arith.constant 128 : i32
    %dma_start3A_25 = tpu.memref_slice %arg5[%dma_start3A_24] : memref<25600xi32, #tpu.memory_space<vmem>> -> memref<128xi32, #tpu.memory_space<vmem>>
    %dma_start3A_26 = arith.constant 0 : i32
    %dma_start3A_27 = arith.constant 0 : i32
    %dma_start3A_28 = tpu.memref_slice %arg3[%dma_start3A_26, %dma_start3A_27] : memref<1000000x128xf32, #tpu.memory_space<hbm>> -> memref<1000000x128xf32, #tpu.memory_space<hbm>>
    %dma_start3A_29 = tpu.memref_slice %arg7[%dma_start3A_19] : memref<4x!tpu.dma_semaphore, #tpu.memory_space<semaphore_mem>> -> memref<1x!tpu.dma_semaphore, #tpu.memory_space<semaphore_mem>>
    %dma_start3A_30 = tpu.memref_squeeze %dma_start3A_29 : memref<1x!tpu.dma_semaphore, #tpu.memory_space<semaphore_mem>> -> memref<!tpu.dma_semaphore, #tpu.memory_space<semaphore_mem>>
    tpu.enqueue_indirect_dma source(%dma_start3A_28 : memref<1000000x128xf32, #tpu.memory_space<hbm>>) target(%dma_start3A_23 : memref<128x128xf32, #tpu.memory_space<vmem>>) offsets(%dma_start3A_25 : memref<128xi32, #tpu.memory_space<vmem>>) semaphore(%dma_start3A_30 : memref<!tpu.dma_semaphore, #tpu.memory_space<semaphore_mem>>)
    %dma_wait3A_31 = arith.constant 0 : i32
    %dma_wait3A_32 = arith.constant 0 : i32
    %dma_wait3A_33 = arith.constant 0 : i32
    %dma_wait3A_34 = arith.constant 0 : i32
    %dma_wait3A_35 = tpu.memref_slice %arg6[%dma_wait3A_31, %dma_wait3A_33, %dma_wait3A_34] : memref<4x128x128xf32, #tpu.memory_space<vmem>> -> memref<1x128x128xf32, #tpu.memory_space<vmem>>
    %dma_wait3A_36 = tpu.memref_squeeze %dma_wait3A_35 : memref<1x128x128xf32, #tpu.memory_space<vmem>> -> memref<128x128xf32, #tpu.memory_space<vmem>>
    %dma_wait3A_37 = arith.constant 0 : i32
    %dma_wait3A_38 = arith.constant 0 : i32
    %dma_wait3A_39 = tpu.memref_slice %arg3[%dma_wait3A_37, %dma_wait3A_38] : memref<1000000x128xf32, #tpu.memory_space<hbm>> -> memref<128x128xf32, #tpu.memory_space<hbm>>
    %dma_wait3A_40 = tpu.memref_slice %arg7[%dma_wait3A_32] : memref<4x!tpu.dma_semaphore, #tpu.memory_space<semaphore_mem>> -> memref<1x!tpu.dma_semaphore, #tpu.memory_space<semaphore_mem>>
    %dma_wait3A_41 = tpu.memref_squeeze %dma_wait3A_40 : memref<1x!tpu.dma_semaphore, #tpu.memory_space<semaphore_mem>> -> memref<!tpu.dma_semaphore, #tpu.memory_space<semaphore_mem>>
    %dma_wait3A_42 = arith.constant 0 : i32
    %dma_wait3A_43 = arith.constant 0 : i32
    %dma_wait3A_44 = tpu.memref_slice %arg6[%dma_wait3A_31, %dma_wait3A_42, %dma_wait3A_43] : memref<4x128x128xf32, #tpu.memory_space<vmem>> -> memref<1x128x128xf32, #tpu.memory_space<vmem>>
    %dma_wait3A_45 = tpu.memref_squeeze %dma_wait3A_44 : memref<1x128x128xf32, #tpu.memory_space<vmem>> -> memref<128x128xf32, #tpu.memory_space<vmem>>
    %dma_wait3A_46 = arith.constant 0 : i32
    %dma_wait3A_47 = arith.constant 0 : i32
    %dma_wait3A_48 = tpu.memref_slice %arg3[%dma_wait3A_46, %dma_wait3A_47] : memref<1000000x128xf32, #tpu.memory_space<hbm>> -> memref<128x128xf32, #tpu.memory_space<hbm>>
    tpu.wait_dma2 semaphore(%dma_wait3A_41 : memref<!tpu.dma_semaphore, #tpu.memory_space<semaphore_mem>>) src(%dma_wait3A_48 : memref<128x128xf32, #tpu.memory_space<hbm>>) dst(%dma_wait3A_45 : memref<128x128xf32, #tpu.memory_space<vmem>>)
    %add3A_49 = arith.constant 0 : i32
    %add3A_50 = arith.addi %mul3A_2, %add3A_49 : i32
    %dma_start3A_51 = arith.constant 0 : i32
    %dma_start3A_52 = arith.constant 0 : i32
    %dma_start3A_53 = arith.constant 0 : i32
    %dma_start3A_54 = arith.constant 0 : i32
    %dma_start3A_55 = tpu.memref_slice %arg6[%dma_start3A_51, %dma_start3A_53, %dma_start3A_54] : memref<4x128x128xf32, #tpu.memory_space<vmem>> -> memref<1x128x128xf32, #tpu.memory_space<vmem>>
    %dma_start3A_56 = tpu.memref_squeeze %dma_start3A_55 : memref<1x128x128xf32, #tpu.memory_space<vmem>> -> memref<128x128xf32, #tpu.memory_space<vmem>>
    %dma_start3A_57 = arith.constant 0 : i32
    %dma_start3A_58 = tpu.memref_slice %arg4[%add3A_50, %dma_start3A_57] : memref<819200x128xf32, #tpu.memory_space<hbm>> -> memref<128x128xf32, #tpu.memory_space<hbm>>
    %dma_start3A_59 = tpu.memref_slice %arg8[%dma_start3A_52] : memref<4x!tpu.dma_semaphore, #tpu.memory_space<semaphore_mem>> -> memref<1x!tpu.dma_semaphore, #tpu.memory_space<semaphore_mem>>
    %dma_start3A_60 = tpu.memref_squeeze %dma_start3A_59 : memref<1x!tpu.dma_semaphore, #tpu.memory_space<semaphore_mem>> -> memref<!tpu.dma_semaphore, #tpu.memory_space<semaphore_mem>>
    %dma_start3A_61 = arith.constant 0 : i32
    %dma_start3A_62 = tpu.memref_slice %arg4[%add3A_50, %dma_start3A_61] : memref<819200x128xf32, #tpu.memory_space<hbm>> -> memref<128x128xf32, #tpu.memory_space<hbm>>
    %dma_start3A_63 = arith.constant 0 : i32
    %dma_start3A_64 = arith.constant 0 : i32
    %dma_start3A_65 = tpu.memref_slice %arg6[%dma_start3A_51, %dma_start3A_63, %dma_start3A_64] : memref<4x128x128xf32, #tpu.memory_space<vmem>> -> memref<1x128x128xf32, #tpu.memory_space<vmem>>
    %dma_start3A_66 = tpu.memref_squeeze %dma_start3A_65 : memref<1x128x128xf32, #tpu.memory_space<vmem>> -> memref<128x128xf32, #tpu.memory_space<vmem>>
    tpu.enqueue_dma source(%dma_start3A_66 : memref<128x128xf32, #tpu.memory_space<vmem>>) target(%dma_start3A_62 : memref<128x128xf32, #tpu.memory_space<hbm>>) target_semaphore(%dma_start3A_60 : memref<!tpu.dma_semaphore, #tpu.memory_space<semaphore_mem>>)
    %dma_start3A_67 = arith.constant 2 : i32
    %dma_start3A_68 = arith.constant 2 : i32
    %dma_start3A_69 = arith.constant 0 : i32
    %dma_start3A_70 = arith.constant 0 : i32
    %dma_start3A_71 = tpu.memref_slice %arg6[%dma_start3A_67, %dma_start3A_69, %dma_start3A_70] : memref<4x128x128xf32, #tpu.memory_space<vmem>> -> memref<1x128x128xf32, #tpu.memory_space<vmem>>
    %dma_start3A_72 = tpu.memref_squeeze %dma_start3A_71 : memref<1x128x128xf32, #tpu.memory_space<vmem>> -> memref<128x128xf32, #tpu.memory_space<vmem>>
    %dma_start3A_73 = arith.constant 256 : i32
    %dma_start3A_74 = tpu.memref_slice %arg5[%dma_start3A_73] : memref<25600xi32, #tpu.memory_space<vmem>> -> memref<128xi32, #tpu.memory_space<vmem>>
    %dma_start3A_75 = arith.constant 0 : i32
    %dma_start3A_76 = arith.constant 0 : i32
    %dma_start3A_77 = tpu.memref_slice %arg3[%dma_start3A_75, %dma_start3A_76] : memref<1000000x128xf32, #tpu.memory_space<hbm>> -> memref<1000000x128xf32, #tpu.memory_space<hbm>>
    %dma_start3A_78 = tpu.memref_slice %arg7[%dma_start3A_68] : memref<4x!tpu.dma_semaphore, #tpu.memory_space<semaphore_mem>> -> memref<1x!tpu.dma_semaphore, #tpu.memory_space<semaphore_mem>>
    %dma_start3A_79 = tpu.memref_squeeze %dma_start3A_78 : memref<1x!tpu.dma_semaphore, #tpu.memory_space<semaphore_mem>> -> memref<!tpu.dma_semaphore, #tpu.memory_space<semaphore_mem>>
    tpu.enqueue_indirect_dma source(%dma_start3A_77 : memref<1000000x128xf32, #tpu.memory_space<hbm>>) target(%dma_start3A_72 : memref<128x128xf32, #tpu.memory_space<vmem>>) offsets(%dma_start3A_74 : memref<128xi32, #tpu.memory_space<vmem>>) semaphore(%dma_start3A_79 : memref<!tpu.dma_semaphore, #tpu.memory_space<semaphore_mem>>)
    %dma_wait3A_80 = arith.constant 1 : i32
    %dma_wait3A_81 = arith.constant 1 : i32
    %dma_wait3A_82 = arith.constant 0 : i32
    %dma_wait3A_83 = arith.constant 0 : i32
    %dma_wait3A_84 = tpu.memref_slice %arg6[%dma_wait3A_80, %dma_wait3A_82, %dma_wait3A_83] : memref<4x128x128xf32, #tpu.memory_space<vmem>> -> memref<1x128x128xf32, #tpu.memory_space<vmem>>
    %dma_wait3A_85 = tpu.memref_squeeze %dma_wait3A_84 : memref<1x128x128xf32, #tpu.memory_space<vmem>> -> memref<128x128xf32, #tpu.memory_space<vmem>>
    %dma_wait3A_86 = arith.constant 0 : i32
    %dma_wait3A_87 = arith.constant 0 : i32
    %dma_wait3A_88 = tpu.memref_slice %arg3[%dma_wait3A_86, %dma_wait3A_87] : memref<1000000x128xf32, #tpu.memory_space<hbm>> -> memref<128x128xf32, #tpu.memory_space<hbm>>
    %dma_wait3A_89 = tpu.memref_slice %arg7[%dma_wait3A_81] : memref<4x!tpu.dma_semaphore, #tpu.memory_space<semaphore_mem>> -> memref<1x!tpu.dma_semaphore, #tpu.memory_space<semaphore_mem>>
    %dma_wait3A_90 = tpu.memref_squeeze %dma_wait3A_89 : memref<1x!tpu.dma_semaphore, #tpu.memory_space<semaphore_mem>> -> memref<!tpu.dma_semaphore, #tpu.memory_space<semaphore_mem>>
    %dma_wait3A_91 = arith.constant 0 : i32
    %dma_wait3A_92 = arith.constant 0 : i32
    %dma_wait3A_93 = tpu.memref_slice %arg6[%dma_wait3A_80, %dma_wait3A_91, %dma_wait3A_92] : memref<4x128x128xf32, #tpu.memory_space<vmem>> -> memref<1x128x128xf32, #tpu.memory_space<vmem>>
    %dma_wait3A_94 = tpu.memref_squeeze %dma_wait3A_93 : memref<1x128x128xf32, #tpu.memory_space<vmem>> -> memref<128x128xf32, #tpu.memory_space<vmem>>
    %dma_wait3A_95 = arith.constant 0 : i32
    %dma_wait3A_96 = arith.constant 0 : i32
    %dma_wait3A_97 = tpu.memref_slice %arg3[%dma_wait3A_95, %dma_wait3A_96] : memref<1000000x128xf32, #tpu.memory_space<hbm>> -> memref<128x128xf32, #tpu.memory_space<hbm>>
    tpu.wait_dma2 semaphore(%dma_wait3A_90 : memref<!tpu.dma_semaphore, #tpu.memory_space<semaphore_mem>>) src(%dma_wait3A_97 : memref<128x128xf32, #tpu.memory_space<hbm>>) dst(%dma_wait3A_94 : memref<128x128xf32, #tpu.memory_space<vmem>>)
    %add3A_98 = arith.constant 128 : i32
    %add3A_99 = arith.addi %mul3A_2, %add3A_98 : i32
    %dma_start3A_100 = arith.constant 1 : i32
    %dma_start3A_101 = arith.constant 1 : i32
    %dma_start3A_102 = arith.constant 0 : i32
    %dma_start3A_103 = arith.constant 0 : i32
    %dma_start3A_104 = tpu.memref_slice %arg6[%dma_start3A_100, %dma_start3A_102, %dma_start3A_103] : memref<4x128x128xf32, #tpu.memory_space<vmem>> -> memref<1x128x128xf32, #tpu.memory_space<vmem>>
    %dma_start3A_105 = tpu.memref_squeeze %dma_start3A_104 : memref<1x128x128xf32, #tpu.memory_space<vmem>> -> memref<128x128xf32, #tpu.memory_space<vmem>>
    %dma_start3A_106 = arith.constant 0 : i32
    %dma_start3A_107 = tpu.memref_slice %arg4[%add3A_99, %dma_start3A_106] : memref<819200x128xf32, #tpu.memory_space<hbm>> -> memref<128x128xf32, #tpu.memory_space<hbm>>
    %dma_start3A_108 = tpu.memref_slice %arg8[%dma_start3A_101] : memref<4x!tpu.dma_semaphore, #tpu.memory_space<semaphore_mem>> -> memref<1x!tpu.dma_semaphore, #tpu.memory_space<semaphore_mem>>
    %dma_start3A_109 = tpu.memref_squeeze %dma_start3A_108 : memref<1x!tpu.dma_semaphore, #tpu.memory_space<semaphore_mem>> -> memref<!tpu.dma_semaphore, #tpu.memory_space<semaphore_mem>>
    %dma_start3A_110 = arith.constant 0 : i32
    %dma_start3A_111 = tpu.memref_slice %arg4[%add3A_99, %dma_start3A_110] : memref<819200x128xf32, #tpu.memory_space<hbm>> -> memref<128x128xf32, #tpu.memory_space<hbm>>
    %dma_start3A_112 = arith.constant 0 : i32
    %dma_start3A_113 = arith.constant 0 : i32
    %dma_start3A_114 = tpu.memref_slice %arg6[%dma_start3A_100, %dma_start3A_112, %dma_start3A_113] : memref<4x128x128xf32, #tpu.memory_space<vmem>> -> memref<1x128x128xf32, #tpu.memory_space<vmem>>
    %dma_start3A_115 = tpu.memref_squeeze %dma_start3A_114 : memref<1x128x128xf32, #tpu.memory_space<vmem>> -> memref<128x128xf32, #tpu.memory_space<vmem>>
    tpu.enqueue_dma source(%dma_start3A_115 : memref<128x128xf32, #tpu.memory_space<vmem>>) target(%dma_start3A_111 : memref<128x128xf32, #tpu.memory_space<hbm>>) target_semaphore(%dma_start3A_109 : memref<!tpu.dma_semaphore, #tpu.memory_space<semaphore_mem>>)
    %dma_start3A_116 = arith.constant 3 : i32
    %dma_start3A_117 = arith.constant 3 : i32
    %dma_start3A_118 = arith.constant 0 : i32
    %dma_start3A_119 = arith.constant 0 : i32
    %dma_start3A_120 = tpu.memref_slice %arg6[%dma_start3A_116, %dma_start3A_118, %dma_start3A_119] : memref<4x128x128xf32, #tpu.memory_space<vmem>> -> memref<1x128x128xf32, #tpu.memory_space<vmem>>
    %dma_start3A_121 = tpu.memref_squeeze %dma_start3A_120 : memref<1x128x128xf32, #tpu.memory_space<vmem>> -> memref<128x128xf32, #tpu.memory_space<vmem>>
    %dma_start3A_122 = arith.constant 384 : i32
    %dma_start3A_123 = tpu.memref_slice %arg5[%dma_start3A_122] : memref<25600xi32, #tpu.memory_space<vmem>> -> memref<128xi32, #tpu.memory_space<vmem>>
    %dma_start3A_124 = arith.constant 0 : i32
    %dma_start3A_125 = arith.constant 0 : i32
    %dma_start3A_126 = tpu.memref_slice %arg3[%dma_start3A_124, %dma_start3A_125] : memref<1000000x128xf32, #tpu.memory_space<hbm>> -> memref<1000000x128xf32, #tpu.memory_space<hbm>>
    %dma_start3A_127 = tpu.memref_slice %arg7[%dma_start3A_117] : memref<4x!tpu.dma_semaphore, #tpu.memory_space<semaphore_mem>> -> memref<1x!tpu.dma_semaphore, #tpu.memory_space<semaphore_mem>>
    %dma_start3A_128 = tpu.memref_squeeze %dma_start3A_127 : memref<1x!tpu.dma_semaphore, #tpu.memory_space<semaphore_mem>> -> memref<!tpu.dma_semaphore, #tpu.memory_space<semaphore_mem>>
    tpu.enqueue_indirect_dma source(%dma_start3A_126 : memref<1000000x128xf32, #tpu.memory_space<hbm>>) target(%dma_start3A_121 : memref<128x128xf32, #tpu.memory_space<vmem>>) offsets(%dma_start3A_123 : memref<128xi32, #tpu.memory_space<vmem>>) semaphore(%dma_start3A_128 : memref<!tpu.dma_semaphore, #tpu.memory_space<semaphore_mem>>)
    %scan3A = arith.constant 0 : i32
    %scan3A_129 = arith.constant 0 : i32
    %scan3A_130 = arith.constant 49 : i32
    %scan3A_131 = arith.addi %scan3A_129, %scan3A_130 : i32
    %scan3A_132 = arith.constant 1 : i32
    scf.for %scan3A_278 = %scan3A_129 to %scan3A_131 step %scan3A_132  : i32 {
      %mul3A_279 = arith.constant 4 : i32
      %mul3A_280 = arith.muli %scan3A_278, %mul3A_279 : i32
      %add3A_281 = arith.constant 2 : i32
      %add3A_282 = arith.addi %add3A_281, %mul3A_280 : i32
      %add3A_283 = arith.constant 0 : i32
      %add3A_284 = arith.addi %add3A_282, %add3A_283 : i32
      %dma_wait3A_285 = arith.constant 2 : i32
      %dma_wait3A_286 = arith.constant 2 : i32
      %dma_wait3A_287 = arith.constant 0 : i32
      %dma_wait3A_288 = arith.constant 0 : i32
      %dma_wait3A_289 = tpu.memref_slice %arg6[%dma_wait3A_285, %dma_wait3A_287, %dma_wait3A_288] : memref<4x128x128xf32, #tpu.memory_space<vmem>> -> memref<1x128x128xf32, #tpu.memory_space<vmem>>
      %dma_wait3A_290 = tpu.memref_squeeze %dma_wait3A_289 : memref<1x128x128xf32, #tpu.memory_space<vmem>> -> memref<128x128xf32, #tpu.memory_space<vmem>>
      %dma_wait3A_291 = arith.constant 0 : i32
      %dma_wait3A_292 = arith.constant 0 : i32
      %dma_wait3A_293 = tpu.memref_slice %arg3[%dma_wait3A_291, %dma_wait3A_292] : memref<1000000x128xf32, #tpu.memory_space<hbm>> -> memref<128x128xf32, #tpu.memory_space<hbm>>
      %dma_wait3A_294 = tpu.memref_slice %arg7[%dma_wait3A_286] : memref<4x!tpu.dma_semaphore, #tpu.memory_space<semaphore_mem>> -> memref<1x!tpu.dma_semaphore, #tpu.memory_space<semaphore_mem>>
      %dma_wait3A_295 = tpu.memref_squeeze %dma_wait3A_294 : memref<1x!tpu.dma_semaphore, #tpu.memory_space<semaphore_mem>> -> memref<!tpu.dma_semaphore, #tpu.memory_space<semaphore_mem>>
      %dma_wait3A_296 = arith.constant 0 : i32
      %dma_wait3A_297 = arith.constant 0 : i32
      %dma_wait3A_298 = tpu.memref_slice %arg6[%dma_wait3A_285, %dma_wait3A_296, %dma_wait3A_297] : memref<4x128x128xf32, #tpu.memory_space<vmem>> -> memref<1x128x128xf32, #tpu.memory_space<vmem>>
      %dma_wait3A_299 = tpu.memref_squeeze %dma_wait3A_298 : memref<1x128x128xf32, #tpu.memory_space<vmem>> -> memref<128x128xf32, #tpu.memory_space<vmem>>
      %dma_wait3A_300 = arith.constant 0 : i32
      %dma_wait3A_301 = arith.constant 0 : i32
      %dma_wait3A_302 = tpu.memref_slice %arg3[%dma_wait3A_300, %dma_wait3A_301] : memref<1000000x128xf32, #tpu.memory_space<hbm>> -> memref<128x128xf32, #tpu.memory_space<hbm>>
      tpu.wait_dma2 semaphore(%dma_wait3A_295 : memref<!tpu.dma_semaphore, #tpu.memory_space<semaphore_mem>>) src(%dma_wait3A_302 : memref<128x128xf32, #tpu.memory_space<hbm>>) dst(%dma_wait3A_299 : memref<128x128xf32, #tpu.memory_space<vmem>>)
      %mul3A_303 = arith.constant 128 : i32
      %mul3A_304 = arith.muli %add3A_284, %mul3A_303 : i32
      %add3A_305 = arith.addi %mul3A_2, %mul3A_304 : i32
      %dma_start3A_306 = arith.constant 2 : i32
      %dma_start3A_307 = arith.constant 2 : i32
      %dma_start3A_308 = arith.constant 0 : i32
      %dma_start3A_309 = arith.constant 0 : i32
      %dma_start3A_310 = tpu.memref_slice %arg6[%dma_start3A_306, %dma_start3A_308, %dma_start3A_309] : memref<4x128x128xf32, #tpu.memory_space<vmem>> -> memref<1x128x128xf32, #tpu.memory_space<vmem>>
      %dma_start3A_311 = tpu.memref_squeeze %dma_start3A_310 : memref<1x128x128xf32, #tpu.memory_space<vmem>> -> memref<128x128xf32, #tpu.memory_space<vmem>>
      %dma_start3A_312 = arith.constant 0 : i32
      %dma_start3A_313 = tpu.memref_slice %arg4[%add3A_305, %dma_start3A_312] : memref<819200x128xf32, #tpu.memory_space<hbm>> -> memref<128x128xf32, #tpu.memory_space<hbm>>
      %dma_start3A_314 = tpu.memref_slice %arg8[%dma_start3A_307] : memref<4x!tpu.dma_semaphore, #tpu.memory_space<semaphore_mem>> -> memref<1x!tpu.dma_semaphore, #tpu.memory_space<semaphore_mem>>
      %dma_start3A_315 = tpu.memref_squeeze %dma_start3A_314 : memref<1x!tpu.dma_semaphore, #tpu.memory_space<semaphore_mem>> -> memref<!tpu.dma_semaphore, #tpu.memory_space<semaphore_mem>>
      %dma_start3A_316 = arith.constant 0 : i32
      %dma_start3A_317 = tpu.memref_slice %arg4[%add3A_305, %dma_start3A_316] : memref<819200x128xf32, #tpu.memory_space<hbm>> -> memref<128x128xf32, #tpu.memory_space<hbm>>
      %dma_start3A_318 = arith.constant 0 : i32
      %dma_start3A_319 = arith.constant 0 : i32
      %dma_start3A_320 = tpu.memref_slice %arg6[%dma_start3A_306, %dma_start3A_318, %dma_start3A_319] : memref<4x128x128xf32, #tpu.memory_space<vmem>> -> memref<1x128x128xf32, #tpu.memory_space<vmem>>
      %dma_start3A_321 = tpu.memref_squeeze %dma_start3A_320 : memref<1x128x128xf32, #tpu.memory_space<vmem>> -> memref<128x128xf32, #tpu.memory_space<vmem>>
      tpu.enqueue_dma source(%dma_start3A_321 : memref<128x128xf32, #tpu.memory_space<vmem>>) target(%dma_start3A_317 : memref<128x128xf32, #tpu.memory_space<hbm>>) target_semaphore(%dma_start3A_315 : memref<!tpu.dma_semaphore, #tpu.memory_space<semaphore_mem>>)
      %dma_wait3A_322 = arith.constant 0 : i32
      %dma_wait3A_323 = arith.constant 0 : i32
      %dma_wait3A_324 = arith.constant 0 : i32
      %dma_wait3A_325 = arith.constant 0 : i32
      %dma_wait3A_326 = tpu.memref_slice %arg6[%dma_wait3A_322, %dma_wait3A_324, %dma_wait3A_325] : memref<4x128x128xf32, #tpu.memory_space<vmem>> -> memref<1x128x128xf32, #tpu.memory_space<vmem>>
      %dma_wait3A_327 = tpu.memref_squeeze %dma_wait3A_326 : memref<1x128x128xf32, #tpu.memory_space<vmem>> -> memref<128x128xf32, #tpu.memory_space<vmem>>
      %dma_wait3A_328 = arith.constant 0 : i32
      %dma_wait3A_329 = arith.constant 0 : i32
      %dma_wait3A_330 = tpu.memref_slice %arg3[%dma_wait3A_328, %dma_wait3A_329] : memref<1000000x128xf32, #tpu.memory_space<hbm>> -> memref<128x128xf32, #tpu.memory_space<hbm>>
      %dma_wait3A_331 = tpu.memref_slice %arg8[%dma_wait3A_323] : memref<4x!tpu.dma_semaphore, #tpu.memory_space<semaphore_mem>> -> memref<1x!tpu.dma_semaphore, #tpu.memory_space<semaphore_mem>>
      %dma_wait3A_332 = tpu.memref_squeeze %dma_wait3A_331 : memref<1x!tpu.dma_semaphore, #tpu.memory_space<semaphore_mem>> -> memref<!tpu.dma_semaphore, #tpu.memory_space<semaphore_mem>>
      %dma_wait3A_333 = arith.constant 0 : i32
      %dma_wait3A_334 = arith.constant 0 : i32
      %dma_wait3A_335 = tpu.memref_slice %arg6[%dma_wait3A_322, %dma_wait3A_333, %dma_wait3A_334] : memref<4x128x128xf32, #tpu.memory_space<vmem>> -> memref<1x128x128xf32, #tpu.memory_space<vmem>>
      %dma_wait3A_336 = tpu.memref_squeeze %dma_wait3A_335 : memref<1x128x128xf32, #tpu.memory_space<vmem>> -> memref<128x128xf32, #tpu.memory_space<vmem>>
      %dma_wait3A_337 = arith.constant 0 : i32
      %dma_wait3A_338 = arith.constant 0 : i32
      %dma_wait3A_339 = tpu.memref_slice %arg3[%dma_wait3A_337, %dma_wait3A_338] : memref<1000000x128xf32, #tpu.memory_space<hbm>> -> memref<128x128xf32, #tpu.memory_space<hbm>>
      tpu.wait_dma2 semaphore(%dma_wait3A_332 : memref<!tpu.dma_semaphore, #tpu.memory_space<semaphore_mem>>) src(%dma_wait3A_339 : memref<128x128xf32, #tpu.memory_space<hbm>>) dst(%dma_wait3A_336 : memref<128x128xf32, #tpu.memory_space<vmem>>)
      %add3A_340 = arith.constant 2 : i32
      %add3A_341 = arith.addi %add3A_284, %add3A_340 : i32
      %mul3A_342 = arith.constant 128 : i32
      %mul3A_343 = arith.muli %add3A_341, %mul3A_342 : i32
      %dma_start3A_344 = arith.constant 0 : i32
      %dma_start3A_345 = arith.constant 0 : i32
      %dma_start3A_346 = arith.constant 0 : i32
      %dma_start3A_347 = arith.constant 0 : i32
      %dma_start3A_348 = tpu.memref_slice %arg6[%dma_start3A_344, %dma_start3A_346, %dma_start3A_347] : memref<4x128x128xf32, #tpu.memory_space<vmem>> -> memref<1x128x128xf32, #tpu.memory_space<vmem>>
      %dma_start3A_349 = tpu.memref_squeeze %dma_start3A_348 : memref<1x128x128xf32, #tpu.memory_space<vmem>> -> memref<128x128xf32, #tpu.memory_space<vmem>>
      %dma_start3A_350 = tpu.memref_slice %arg5[%mul3A_343] : memref<25600xi32, #tpu.memory_space<vmem>> -> memref<128xi32, #tpu.memory_space<vmem>>
      %dma_start3A_351 = arith.constant 0 : i32
      %dma_start3A_352 = arith.constant 0 : i32
      %dma_start3A_353 = tpu.memref_slice %arg3[%dma_start3A_351, %dma_start3A_352] : memref<1000000x128xf32, #tpu.memory_space<hbm>> -> memref<1000000x128xf32, #tpu.memory_space<hbm>>
      %dma_start3A_354 = tpu.memref_slice %arg7[%dma_start3A_345] : memref<4x!tpu.dma_semaphore, #tpu.memory_space<semaphore_mem>> -> memref<1x!tpu.dma_semaphore, #tpu.memory_space<semaphore_mem>>
      %dma_start3A_355 = tpu.memref_squeeze %dma_start3A_354 : memref<1x!tpu.dma_semaphore, #tpu.memory_space<semaphore_mem>> -> memref<!tpu.dma_semaphore, #tpu.memory_space<semaphore_mem>>
      tpu.enqueue_indirect_dma source(%dma_start3A_353 : memref<1000000x128xf32, #tpu.memory_space<hbm>>) target(%dma_start3A_349 : memref<128x128xf32, #tpu.memory_space<vmem>>) offsets(%dma_start3A_350 : memref<128xi32, #tpu.memory_space<vmem>>) semaphore(%dma_start3A_355 : memref<!tpu.dma_semaphore, #tpu.memory_space<semaphore_mem>>)
      %add3A_356 = arith.constant 1 : i32
      %add3A_357 = arith.addi %add3A_282, %add3A_356 : i32
      %dma_wait3A_358 = arith.constant 3 : i32
      %dma_wait3A_359 = arith.constant 3 : i32
      %dma_wait3A_360 = arith.constant 0 : i32
      %dma_wait3A_361 = arith.constant 0 : i32
      %dma_wait3A_362 = tpu.memref_slice %arg6[%dma_wait3A_358, %dma_wait3A_360, %dma_wait3A_361] : memref<4x128x128xf32, #tpu.memory_space<vmem>> -> memref<1x128x128xf32, #tpu.memory_space<vmem>>
      %dma_wait3A_363 = tpu.memref_squeeze %dma_wait3A_362 : memref<1x128x128xf32, #tpu.memory_space<vmem>> -> memref<128x128xf32, #tpu.memory_space<vmem>>
      %dma_wait3A_364 = arith.constant 0 : i32
      %dma_wait3A_365 = arith.constant 0 : i32
      %dma_wait3A_366 = tpu.memref_slice %arg3[%dma_wait3A_364, %dma_wait3A_365] : memref<1000000x128xf32, #tpu.memory_space<hbm>> -> memref<128x128xf32, #tpu.memory_space<hbm>>
      %dma_wait3A_367 = tpu.memref_slice %arg7[%dma_wait3A_359] : memref<4x!tpu.dma_semaphore, #tpu.memory_space<semaphore_mem>> -> memref<1x!tpu.dma_semaphore, #tpu.memory_space<semaphore_mem>>
      %dma_wait3A_368 = tpu.memref_squeeze %dma_wait3A_367 : memref<1x!tpu.dma_semaphore, #tpu.memory_space<semaphore_mem>> -> memref<!tpu.dma_semaphore, #tpu.memory_space<semaphore_mem>>
      %dma_wait3A_369 = arith.constant 0 : i32
      %dma_wait3A_370 = arith.constant 0 : i32
      %dma_wait3A_371 = tpu.memref_slice %arg6[%dma_wait3A_358, %dma_wait3A_369, %dma_wait3A_370] : memref<4x128x128xf32, #tpu.memory_space<vmem>> -> memref<1x128x128xf32, #tpu.memory_space<vmem>>
      %dma_wait3A_372 = tpu.memref_squeeze %dma_wait3A_371 : memref<1x128x128xf32, #tpu.memory_space<vmem>> -> memref<128x128xf32, #tpu.memory_space<vmem>>
      %dma_wait3A_373 = arith.constant 0 : i32
      %dma_wait3A_374 = arith.constant 0 : i32
      %dma_wait3A_375 = tpu.memref_slice %arg3[%dma_wait3A_373, %dma_wait3A_374] : memref<1000000x128xf32, #tpu.memory_space<hbm>> -> memref<128x128xf32, #tpu.memory_space<hbm>>
      tpu.wait_dma2 semaphore(%dma_wait3A_368 : memref<!tpu.dma_semaphore, #tpu.memory_space<semaphore_mem>>) src(%dma_wait3A_375 : memref<128x128xf32, #tpu.memory_space<hbm>>) dst(%dma_wait3A_372 : memref<128x128xf32, #tpu.memory_space<vmem>>)
      %mul3A_376 = arith.constant 128 : i32
      %mul3A_377 = arith.muli %add3A_357, %mul3A_376 : i32
      %add3A_378 = arith.addi %mul3A_2, %mul3A_377 : i32
      %dma_start3A_379 = arith.constant 3 : i32
      %dma_start3A_380 = arith.constant 3 : i32
      %dma_start3A_381 = arith.constant 0 : i32
      %dma_start3A_382 = arith.constant 0 : i32
      %dma_start3A_383 = tpu.memref_slice %arg6[%dma_start3A_379, %dma_start3A_381, %dma_start3A_382] : memref<4x128x128xf32, #tpu.memory_space<vmem>> -> memref<1x128x128xf32, #tpu.memory_space<vmem>>
      %dma_start3A_384 = tpu.memref_squeeze %dma_start3A_383 : memref<1x128x128xf32, #tpu.memory_space<vmem>> -> memref<128x128xf32, #tpu.memory_space<vmem>>
      %dma_start3A_385 = arith.constant 0 : i32
      %dma_start3A_386 = tpu.memref_slice %arg4[%add3A_378, %dma_start3A_385] : memref<819200x128xf32, #tpu.memory_space<hbm>> -> memref<128x128xf32, #tpu.memory_space<hbm>>
      %dma_start3A_387 = tpu.memref_slice %arg8[%dma_start3A_380] : memref<4x!tpu.dma_semaphore, #tpu.memory_space<semaphore_mem>> -> memref<1x!tpu.dma_semaphore, #tpu.memory_space<semaphore_mem>>
      %dma_start3A_388 = tpu.memref_squeeze %dma_start3A_387 : memref<1x!tpu.dma_semaphore, #tpu.memory_space<semaphore_mem>> -> memref<!tpu.dma_semaphore, #tpu.memory_space<semaphore_mem>>
      %dma_start3A_389 = arith.constant 0 : i32
      %dma_start3A_390 = tpu.memref_slice %arg4[%add3A_378, %dma_start3A_389] : memref<819200x128xf32, #tpu.memory_space<hbm>> -> memref<128x128xf32, #tpu.memory_space<hbm>>
      %dma_start3A_391 = arith.constant 0 : i32
      %dma_start3A_392 = arith.constant 0 : i32
      %dma_start3A_393 = tpu.memref_slice %arg6[%dma_start3A_379, %dma_start3A_391, %dma_start3A_392] : memref<4x128x128xf32, #tpu.memory_space<vmem>> -> memref<1x128x128xf32, #tpu.memory_space<vmem>>
      %dma_start3A_394 = tpu.memref_squeeze %dma_start3A_393 : memref<1x128x128xf32, #tpu.memory_space<vmem>> -> memref<128x128xf32, #tpu.memory_space<vmem>>
      tpu.enqueue_dma source(%dma_start3A_394 : memref<128x128xf32, #tpu.memory_space<vmem>>) target(%dma_start3A_390 : memref<128x128xf32, #tpu.memory_space<hbm>>) target_semaphore(%dma_start3A_388 : memref<!tpu.dma_semaphore, #tpu.memory_space<semaphore_mem>>)
      %dma_wait3A_395 = arith.constant 1 : i32
      %dma_wait3A_396 = arith.constant 1 : i32
      %dma_wait3A_397 = arith.constant 0 : i32
      %dma_wait3A_398 = arith.constant 0 : i32
      %dma_wait3A_399 = tpu.memref_slice %arg6[%dma_wait3A_395, %dma_wait3A_397, %dma_wait3A_398] : memref<4x128x128xf32, #tpu.memory_space<vmem>> -> memref<1x128x128xf32, #tpu.memory_space<vmem>>
      %dma_wait3A_400 = tpu.memref_squeeze %dma_wait3A_399 : memref<1x128x128xf32, #tpu.memory_space<vmem>> -> memref<128x128xf32, #tpu.memory_space<vmem>>
      %dma_wait3A_401 = arith.constant 0 : i32
      %dma_wait3A_402 = arith.constant 0 : i32
      %dma_wait3A_403 = tpu.memref_slice %arg3[%dma_wait3A_401, %dma_wait3A_402] : memref<1000000x128xf32, #tpu.memory_space<hbm>> -> memref<128x128xf32, #tpu.memory_space<hbm>>
      %dma_wait3A_404 = tpu.memref_slice %arg8[%dma_wait3A_396] : memref<4x!tpu.dma_semaphore, #tpu.memory_space<semaphore_mem>> -> memref<1x!tpu.dma_semaphore, #tpu.memory_space<semaphore_mem>>
      %dma_wait3A_405 = tpu.memref_squeeze %dma_wait3A_404 : memref<1x!tpu.dma_semaphore, #tpu.memory_space<semaphore_mem>> -> memref<!tpu.dma_semaphore, #tpu.memory_space<semaphore_mem>>
      %dma_wait3A_406 = arith.constant 0 : i32
      %dma_wait3A_407 = arith.constant 0 : i32
      %dma_wait3A_408 = tpu.memref_slice %arg6[%dma_wait3A_395, %dma_wait3A_406, %dma_wait3A_407] : memref<4x128x128xf32, #tpu.memory_space<vmem>> -> memref<1x128x128xf32, #tpu.memory_space<vmem>>
      %dma_wait3A_409 = tpu.memref_squeeze %dma_wait3A_408 : memref<1x128x128xf32, #tpu.memory_space<vmem>> -> memref<128x128xf32, #tpu.memory_space<vmem>>
      %dma_wait3A_410 = arith.constant 0 : i32
      %dma_wait3A_411 = arith.constant 0 : i32
      %dma_wait3A_412 = tpu.memref_slice %arg3[%dma_wait3A_410, %dma_wait3A_411] : memref<1000000x128xf32, #tpu.memory_space<hbm>> -> memref<128x128xf32, #tpu.memory_space<hbm>>
      tpu.wait_dma2 semaphore(%dma_wait3A_405 : memref<!tpu.dma_semaphore, #tpu.memory_space<semaphore_mem>>) src(%dma_wait3A_412 : memref<128x128xf32, #tpu.memory_space<hbm>>) dst(%dma_wait3A_409 : memref<128x128xf32, #tpu.memory_space<vmem>>)
      %add3A_413 = arith.constant 2 : i32
      %add3A_414 = arith.addi %add3A_357, %add3A_413 : i32
      %mul3A_415 = arith.constant 128 : i32
      %mul3A_416 = arith.muli %add3A_414, %mul3A_415 : i32
      %dma_start3A_417 = arith.constant 1 : i32
      %dma_start3A_418 = arith.constant 1 : i32
      %dma_start3A_419 = arith.constant 0 : i32
      %dma_start3A_420 = arith.constant 0 : i32
      %dma_start3A_421 = tpu.memref_slice %arg6[%dma_start3A_417, %dma_start3A_419, %dma_start3A_420] : memref<4x128x128xf32, #tpu.memory_space<vmem>> -> memref<1x128x128xf32, #tpu.memory_space<vmem>>
      %dma_start3A_422 = tpu.memref_squeeze %dma_start3A_421 : memref<1x128x128xf32, #tpu.memory_space<vmem>> -> memref<128x128xf32, #tpu.memory_space<vmem>>
      %dma_start3A_423 = tpu.memref_slice %arg5[%mul3A_416] : memref<25600xi32, #tpu.memory_space<vmem>> -> memref<128xi32, #tpu.memory_space<vmem>>
      %dma_start3A_424 = arith.constant 0 : i32
      %dma_start3A_425 = arith.constant 0 : i32
      %dma_start3A_426 = tpu.memref_slice %arg3[%dma_start3A_424, %dma_start3A_425] : memref<1000000x128xf32, #tpu.memory_space<hbm>> -> memref<1000000x128xf32, #tpu.memory_space<hbm>>
      %dma_start3A_427 = tpu.memref_slice %arg7[%dma_start3A_418] : memref<4x!tpu.dma_semaphore, #tpu.memory_space<semaphore_mem>> -> memref<1x!tpu.dma_semaphore, #tpu.memory_space<semaphore_mem>>
      %dma_start3A_428 = tpu.memref_squeeze %dma_start3A_427 : memref<1x!tpu.dma_semaphore, #tpu.memory_space<semaphore_mem>> -> memref<!tpu.dma_semaphore, #tpu.memory_space<semaphore_mem>>
      tpu.enqueue_indirect_dma source(%dma_start3A_426 : memref<1000000x128xf32, #tpu.memory_space<hbm>>) target(%dma_start3A_422 : memref<128x128xf32, #tpu.memory_space<vmem>>) offsets(%dma_start3A_423 : memref<128xi32, #tpu.memory_space<vmem>>) semaphore(%dma_start3A_428 : memref<!tpu.dma_semaphore, #tpu.memory_space<semaphore_mem>>)
      %add3A_429 = arith.constant 2 : i32
      %add3A_430 = arith.addi %add3A_282, %add3A_429 : i32
      %dma_wait3A_431 = arith.constant 0 : i32
      %dma_wait3A_432 = arith.constant 0 : i32
      %dma_wait3A_433 = arith.constant 0 : i32
      %dma_wait3A_434 = arith.constant 0 : i32
      %dma_wait3A_435 = tpu.memref_slice %arg6[%dma_wait3A_431, %dma_wait3A_433, %dma_wait3A_434] : memref<4x128x128xf32, #tpu.memory_space<vmem>> -> memref<1x128x128xf32, #tpu.memory_space<vmem>>
      %dma_wait3A_436 = tpu.memref_squeeze %dma_wait3A_435 : memref<1x128x128xf32, #tpu.memory_space<vmem>> -> memref<128x128xf32, #tpu.memory_space<vmem>>
      %dma_wait3A_437 = arith.constant 0 : i32
      %dma_wait3A_438 = arith.constant 0 : i32
      %dma_wait3A_439 = tpu.memref_slice %arg3[%dma_wait3A_437, %dma_wait3A_438] : memref<1000000x128xf32, #tpu.memory_space<hbm>> -> memref<128x128xf32, #tpu.memory_space<hbm>>
      %dma_wait3A_440 = tpu.memref_slice %arg7[%dma_wait3A_432] : memref<4x!tpu.dma_semaphore, #tpu.memory_space<semaphore_mem>> -> memref<1x!tpu.dma_semaphore, #tpu.memory_space<semaphore_mem>>
      %dma_wait3A_441 = tpu.memref_squeeze %dma_wait3A_440 : memref<1x!tpu.dma_semaphore, #tpu.memory_space<semaphore_mem>> -> memref<!tpu.dma_semaphore, #tpu.memory_space<semaphore_mem>>
      %dma_wait3A_442 = arith.constant 0 : i32
      %dma_wait3A_443 = arith.constant 0 : i32
      %dma_wait3A_444 = tpu.memref_slice %arg6[%dma_wait3A_431, %dma_wait3A_442, %dma_wait3A_443] : memref<4x128x128xf32, #tpu.memory_space<vmem>> -> memref<1x128x128xf32, #tpu.memory_space<vmem>>
      %dma_wait3A_445 = tpu.memref_squeeze %dma_wait3A_444 : memref<1x128x128xf32, #tpu.memory_space<vmem>> -> memref<128x128xf32, #tpu.memory_space<vmem>>
      %dma_wait3A_446 = arith.constant 0 : i32
      %dma_wait3A_447 = arith.constant 0 : i32
      %dma_wait3A_448 = tpu.memref_slice %arg3[%dma_wait3A_446, %dma_wait3A_447] : memref<1000000x128xf32, #tpu.memory_space<hbm>> -> memref<128x128xf32, #tpu.memory_space<hbm>>
      tpu.wait_dma2 semaphore(%dma_wait3A_441 : memref<!tpu.dma_semaphore, #tpu.memory_space<semaphore_mem>>) src(%dma_wait3A_448 : memref<128x128xf32, #tpu.memory_space<hbm>>) dst(%dma_wait3A_445 : memref<128x128xf32, #tpu.memory_space<vmem>>)
      %mul3A_449 = arith.constant 128 : i32
      %mul3A_450 = arith.muli %add3A_430, %mul3A_449 : i32
      %add3A_451 = arith.addi %mul3A_2, %mul3A_450 : i32
      %dma_start3A_452 = arith.constant 0 : i32
      %dma_start3A_453 = arith.constant 0 : i32
      %dma_start3A_454 = arith.constant 0 : i32
      %dma_start3A_455 = arith.constant 0 : i32
      %dma_start3A_456 = tpu.memref_slice %arg6[%dma_start3A_452, %dma_start3A_454, %dma_start3A_455] : memref<4x128x128xf32, #tpu.memory_space<vmem>> -> memref<1x128x128xf32, #tpu.memory_space<vmem>>
      %dma_start3A_457 = tpu.memref_squeeze %dma_start3A_456 : memref<1x128x128xf32, #tpu.memory_space<vmem>> -> memref<128x128xf32, #tpu.memory_space<vmem>>
      %dma_start3A_458 = arith.constant 0 : i32
      %dma_start3A_459 = tpu.memref_slice %arg4[%add3A_451, %dma_start3A_458] : memref<819200x128xf32, #tpu.memory_space<hbm>> -> memref<128x128xf32, #tpu.memory_space<hbm>>
      %dma_start3A_460 = tpu.memref_slice %arg8[%dma_start3A_453] : memref<4x!tpu.dma_semaphore, #tpu.memory_space<semaphore_mem>> -> memref<1x!tpu.dma_semaphore, #tpu.memory_space<semaphore_mem>>
      %dma_start3A_461 = tpu.memref_squeeze %dma_start3A_460 : memref<1x!tpu.dma_semaphore, #tpu.memory_space<semaphore_mem>> -> memref<!tpu.dma_semaphore, #tpu.memory_space<semaphore_mem>>
      %dma_start3A_462 = arith.constant 0 : i32
      %dma_start3A_463 = tpu.memref_slice %arg4[%add3A_451, %dma_start3A_462] : memref<819200x128xf32, #tpu.memory_space<hbm>> -> memref<128x128xf32, #tpu.memory_space<hbm>>
      %dma_start3A_464 = arith.constant 0 : i32
      %dma_start3A_465 = arith.constant 0 : i32
      %dma_start3A_466 = tpu.memref_slice %arg6[%dma_start3A_452, %dma_start3A_464, %dma_start3A_465] : memref<4x128x128xf32, #tpu.memory_space<vmem>> -> memref<1x128x128xf32, #tpu.memory_space<vmem>>
      %dma_start3A_467 = tpu.memref_squeeze %dma_start3A_466 : memref<1x128x128xf32, #tpu.memory_space<vmem>> -> memref<128x128xf32, #tpu.memory_space<vmem>>
      tpu.enqueue_dma source(%dma_start3A_467 : memref<128x128xf32, #tpu.memory_space<vmem>>) target(%dma_start3A_463 : memref<128x128xf32, #tpu.memory_space<hbm>>) target_semaphore(%dma_start3A_461 : memref<!tpu.dma_semaphore, #tpu.memory_space<semaphore_mem>>)
      %dma_wait3A_468 = arith.constant 2 : i32
      %dma_wait3A_469 = arith.constant 2 : i32
      %dma_wait3A_470 = arith.constant 0 : i32
      %dma_wait3A_471 = arith.constant 0 : i32
      %dma_wait3A_472 = tpu.memref_slice %arg6[%dma_wait3A_468, %dma_wait3A_470, %dma_wait3A_471] : memref<4x128x128xf32, #tpu.memory_space<vmem>> -> memref<1x128x128xf32, #tpu.memory_space<vmem>>
      %dma_wait3A_473 = tpu.memref_squeeze %dma_wait3A_472 : memref<1x128x128xf32, #tpu.memory_space<vmem>> -> memref<128x128xf32, #tpu.memory_space<vmem>>
      %dma_wait3A_474 = arith.constant 0 : i32
      %dma_wait3A_475 = arith.constant 0 : i32
      %dma_wait3A_476 = tpu.memref_slice %arg3[%dma_wait3A_474, %dma_wait3A_475] : memref<1000000x128xf32, #tpu.memory_space<hbm>> -> memref<128x128xf32, #tpu.memory_space<hbm>>
      %dma_wait3A_477 = tpu.memref_slice %arg8[%dma_wait3A_469] : memref<4x!tpu.dma_semaphore, #tpu.memory_space<semaphore_mem>> -> memref<1x!tpu.dma_semaphore, #tpu.memory_space<semaphore_mem>>
      %dma_wait3A_478 = tpu.memref_squeeze %dma_wait3A_477 : memref<1x!tpu.dma_semaphore, #tpu.memory_space<semaphore_mem>> -> memref<!tpu.dma_semaphore, #tpu.memory_space<semaphore_mem>>
      %dma_wait3A_479 = arith.constant 0 : i32
      %dma_wait3A_480 = arith.constant 0 : i32
      %dma_wait3A_481 = tpu.memref_slice %arg6[%dma_wait3A_468, %dma_wait3A_479, %dma_wait3A_480] : memref<4x128x128xf32, #tpu.memory_space<vmem>> -> memref<1x128x128xf32, #tpu.memory_space<vmem>>
      %dma_wait3A_482 = tpu.memref_squeeze %dma_wait3A_481 : memref<1x128x128xf32, #tpu.memory_space<vmem>> -> memref<128x128xf32, #tpu.memory_space<vmem>>
      %dma_wait3A_483 = arith.constant 0 : i32
      %dma_wait3A_484 = arith.constant 0 : i32
      %dma_wait3A_485 = tpu.memref_slice %arg3[%dma_wait3A_483, %dma_wait3A_484] : memref<1000000x128xf32, #tpu.memory_space<hbm>> -> memref<128x128xf32, #tpu.memory_space<hbm>>
      tpu.wait_dma2 semaphore(%dma_wait3A_478 : memref<!tpu.dma_semaphore, #tpu.memory_space<semaphore_mem>>) src(%dma_wait3A_485 : memref<128x128xf32, #tpu.memory_space<hbm>>) dst(%dma_wait3A_482 : memref<128x128xf32, #tpu.memory_space<vmem>>)
      %add3A_486 = arith.constant 2 : i32
      %add3A_487 = arith.addi %add3A_430, %add3A_486 : i32
      %mul3A_488 = arith.constant 128 : i32
      %mul3A_489 = arith.muli %add3A_487, %mul3A_488 : i32
      %dma_start3A_490 = arith.constant 2 : i32
      %dma_start3A_491 = arith.constant 2 : i32
      %dma_start3A_492 = arith.constant 0 : i32
      %dma_start3A_493 = arith.constant 0 : i32
      %dma_start3A_494 = tpu.memref_slice %arg6[%dma_start3A_490, %dma_start3A_492, %dma_start3A_493] : memref<4x128x128xf32, #tpu.memory_space<vmem>> -> memref<1x128x128xf32, #tpu.memory_space<vmem>>
      %dma_start3A_495 = tpu.memref_squeeze %dma_start3A_494 : memref<1x128x128xf32, #tpu.memory_space<vmem>> -> memref<128x128xf32, #tpu.memory_space<vmem>>
      %dma_start3A_496 = tpu.memref_slice %arg5[%mul3A_489] : memref<25600xi32, #tpu.memory_space<vmem>> -> memref<128xi32, #tpu.memory_space<vmem>>
      %dma_start3A_497 = arith.constant 0 : i32
      %dma_start3A_498 = arith.constant 0 : i32
      %dma_start3A_499 = tpu.memref_slice %arg3[%dma_start3A_497, %dma_start3A_498] : memref<1000000x128xf32, #tpu.memory_space<hbm>> -> memref<1000000x128xf32, #tpu.memory_space<hbm>>
      %dma_start3A_500 = tpu.memref_slice %arg7[%dma_start3A_491] : memref<4x!tpu.dma_semaphore, #tpu.memory_space<semaphore_mem>> -> memref<1x!tpu.dma_semaphore, #tpu.memory_space<semaphore_mem>>
      %dma_start3A_501 = tpu.memref_squeeze %dma_start3A_500 : memref<1x!tpu.dma_semaphore, #tpu.memory_space<semaphore_mem>> -> memref<!tpu.dma_semaphore, #tpu.memory_space<semaphore_mem>>
      tpu.enqueue_indirect_dma source(%dma_start3A_499 : memref<1000000x128xf32, #tpu.memory_space<hbm>>) target(%dma_start3A_495 : memref<128x128xf32, #tpu.memory_space<vmem>>) offsets(%dma_start3A_496 : memref<128xi32, #tpu.memory_space<vmem>>) semaphore(%dma_start3A_501 : memref<!tpu.dma_semaphore, #tpu.memory_space<semaphore_mem>>)
      %add3A_502 = arith.constant 3 : i32
      %add3A_503 = arith.addi %add3A_282, %add3A_502 : i32
      %dma_wait3A_504 = arith.constant 1 : i32
      %dma_wait3A_505 = arith.constant 1 : i32
      %dma_wait3A_506 = arith.constant 0 : i32
      %dma_wait3A_507 = arith.constant 0 : i32
      %dma_wait3A_508 = tpu.memref_slice %arg6[%dma_wait3A_504, %dma_wait3A_506, %dma_wait3A_507] : memref<4x128x128xf32, #tpu.memory_space<vmem>> -> memref<1x128x128xf32, #tpu.memory_space<vmem>>
      %dma_wait3A_509 = tpu.memref_squeeze %dma_wait3A_508 : memref<1x128x128xf32, #tpu.memory_space<vmem>> -> memref<128x128xf32, #tpu.memory_space<vmem>>
      %dma_wait3A_510 = arith.constant 0 : i32
      %dma_wait3A_511 = arith.constant 0 : i32
      %dma_wait3A_512 = tpu.memref_slice %arg3[%dma_wait3A_510, %dma_wait3A_511] : memref<1000000x128xf32, #tpu.memory_space<hbm>> -> memref<128x128xf32, #tpu.memory_space<hbm>>
      %dma_wait3A_513 = tpu.memref_slice %arg7[%dma_wait3A_505] : memref<4x!tpu.dma_semaphore, #tpu.memory_space<semaphore_mem>> -> memref<1x!tpu.dma_semaphore, #tpu.memory_space<semaphore_mem>>
      %dma_wait3A_514 = tpu.memref_squeeze %dma_wait3A_513 : memref<1x!tpu.dma_semaphore, #tpu.memory_space<semaphore_mem>> -> memref<!tpu.dma_semaphore, #tpu.memory_space<semaphore_mem>>
      %dma_wait3A_515 = arith.constant 0 : i32
      %dma_wait3A_516 = arith.constant 0 : i32
      %dma_wait3A_517 = tpu.memref_slice %arg6[%dma_wait3A_504, %dma_wait3A_515, %dma_wait3A_516] : memref<4x128x128xf32, #tpu.memory_space<vmem>> -> memref<1x128x128xf32, #tpu.memory_space<vmem>>
      %dma_wait3A_518 = tpu.memref_squeeze %dma_wait3A_517 : memref<1x128x128xf32, #tpu.memory_space<vmem>> -> memref<128x128xf32, #tpu.memory_space<vmem>>
      %dma_wait3A_519 = arith.constant 0 : i32
      %dma_wait3A_520 = arith.constant 0 : i32
      %dma_wait3A_521 = tpu.memref_slice %arg3[%dma_wait3A_519, %dma_wait3A_520] : memref<1000000x128xf32, #tpu.memory_space<hbm>> -> memref<128x128xf32, #tpu.memory_space<hbm>>
      tpu.wait_dma2 semaphore(%dma_wait3A_514 : memref<!tpu.dma_semaphore, #tpu.memory_space<semaphore_mem>>) src(%dma_wait3A_521 : memref<128x128xf32, #tpu.memory_space<hbm>>) dst(%dma_wait3A_518 : memref<128x128xf32, #tpu.memory_space<vmem>>)
      %mul3A_522 = arith.constant 128 : i32
      %mul3A_523 = arith.muli %add3A_503, %mul3A_522 : i32
      %add3A_524 = arith.addi %mul3A_2, %mul3A_523 : i32
      %dma_start3A_525 = arith.constant 1 : i32
      %dma_start3A_526 = arith.constant 1 : i32
      %dma_start3A_527 = arith.constant 0 : i32
      %dma_start3A_528 = arith.constant 0 : i32
      %dma_start3A_529 = tpu.memref_slice %arg6[%dma_start3A_525, %dma_start3A_527, %dma_start3A_528] : memref<4x128x128xf32, #tpu.memory_space<vmem>> -> memref<1x128x128xf32, #tpu.memory_space<vmem>>
      %dma_start3A_530 = tpu.memref_squeeze %dma_start3A_529 : memref<1x128x128xf32, #tpu.memory_space<vmem>> -> memref<128x128xf32, #tpu.memory_space<vmem>>
      %dma_start3A_531 = arith.constant 0 : i32
      %dma_start3A_532 = tpu.memref_slice %arg4[%add3A_524, %dma_start3A_531] : memref<819200x128xf32, #tpu.memory_space<hbm>> -> memref<128x128xf32, #tpu.memory_space<hbm>>
      %dma_start3A_533 = tpu.memref_slice %arg8[%dma_start3A_526] : memref<4x!tpu.dma_semaphore, #tpu.memory_space<semaphore_mem>> -> memref<1x!tpu.dma_semaphore, #tpu.memory_space<semaphore_mem>>
      %dma_start3A_534 = tpu.memref_squeeze %dma_start3A_533 : memref<1x!tpu.dma_semaphore, #tpu.memory_space<semaphore_mem>> -> memref<!tpu.dma_semaphore, #tpu.memory_space<semaphore_mem>>
      %dma_start3A_535 = arith.constant 0 : i32
      %dma_start3A_536 = tpu.memref_slice %arg4[%add3A_524, %dma_start3A_535] : memref<819200x128xf32, #tpu.memory_space<hbm>> -> memref<128x128xf32, #tpu.memory_space<hbm>>
      %dma_start3A_537 = arith.constant 0 : i32
      %dma_start3A_538 = arith.constant 0 : i32
      %dma_start3A_539 = tpu.memref_slice %arg6[%dma_start3A_525, %dma_start3A_537, %dma_start3A_538] : memref<4x128x128xf32, #tpu.memory_space<vmem>> -> memref<1x128x128xf32, #tpu.memory_space<vmem>>
      %dma_start3A_540 = tpu.memref_squeeze %dma_start3A_539 : memref<1x128x128xf32, #tpu.memory_space<vmem>> -> memref<128x128xf32, #tpu.memory_space<vmem>>
      tpu.enqueue_dma source(%dma_start3A_540 : memref<128x128xf32, #tpu.memory_space<vmem>>) target(%dma_start3A_536 : memref<128x128xf32, #tpu.memory_space<hbm>>) target_semaphore(%dma_start3A_534 : memref<!tpu.dma_semaphore, #tpu.memory_space<semaphore_mem>>)
      %dma_wait3A_541 = arith.constant 3 : i32
      %dma_wait3A_542 = arith.constant 3 : i32
      %dma_wait3A_543 = arith.constant 0 : i32
      %dma_wait3A_544 = arith.constant 0 : i32
      %dma_wait3A_545 = tpu.memref_slice %arg6[%dma_wait3A_541, %dma_wait3A_543, %dma_wait3A_544] : memref<4x128x128xf32, #tpu.memory_space<vmem>> -> memref<1x128x128xf32, #tpu.memory_space<vmem>>
      %dma_wait3A_546 = tpu.memref_squeeze %dma_wait3A_545 : memref<1x128x128xf32, #tpu.memory_space<vmem>> -> memref<128x128xf32, #tpu.memory_space<vmem>>
      %dma_wait3A_547 = arith.constant 0 : i32
      %dma_wait3A_548 = arith.constant 0 : i32
      %dma_wait3A_549 = tpu.memref_slice %arg3[%dma_wait3A_547, %dma_wait3A_548] : memref<1000000x128xf32, #tpu.memory_space<hbm>> -> memref<128x128xf32, #tpu.memory_space<hbm>>
      %dma_wait3A_550 = tpu.memref_slice %arg8[%dma_wait3A_542] : memref<4x!tpu.dma_semaphore, #tpu.memory_space<semaphore_mem>> -> memref<1x!tpu.dma_semaphore, #tpu.memory_space<semaphore_mem>>
      %dma_wait3A_551 = tpu.memref_squeeze %dma_wait3A_550 : memref<1x!tpu.dma_semaphore, #tpu.memory_space<semaphore_mem>> -> memref<!tpu.dma_semaphore, #tpu.memory_space<semaphore_mem>>
      %dma_wait3A_552 = arith.constant 0 : i32
      %dma_wait3A_553 = arith.constant 0 : i32
      %dma_wait3A_554 = tpu.memref_slice %arg6[%dma_wait3A_541, %dma_wait3A_552, %dma_wait3A_553] : memref<4x128x128xf32, #tpu.memory_space<vmem>> -> memref<1x128x128xf32, #tpu.memory_space<vmem>>
      %dma_wait3A_555 = tpu.memref_squeeze %dma_wait3A_554 : memref<1x128x128xf32, #tpu.memory_space<vmem>> -> memref<128x128xf32, #tpu.memory_space<vmem>>
      %dma_wait3A_556 = arith.constant 0 : i32
      %dma_wait3A_557 = arith.constant 0 : i32
      %dma_wait3A_558 = tpu.memref_slice %arg3[%dma_wait3A_556, %dma_wait3A_557] : memref<1000000x128xf32, #tpu.memory_space<hbm>> -> memref<128x128xf32, #tpu.memory_space<hbm>>
      tpu.wait_dma2 semaphore(%dma_wait3A_551 : memref<!tpu.dma_semaphore, #tpu.memory_space<semaphore_mem>>) src(%dma_wait3A_558 : memref<128x128xf32, #tpu.memory_space<hbm>>) dst(%dma_wait3A_555 : memref<128x128xf32, #tpu.memory_space<vmem>>)
      %add3A_559 = arith.constant 2 : i32
      %add3A_560 = arith.addi %add3A_503, %add3A_559 : i32
      %mul3A_561 = arith.constant 128 : i32
      %mul3A_562 = arith.muli %add3A_560, %mul3A_561 : i32
      %dma_start3A_563 = arith.constant 3 : i32
      %dma_start3A_564 = arith.constant 3 : i32
      %dma_start3A_565 = arith.constant 0 : i32
      %dma_start3A_566 = arith.constant 0 : i32
      %dma_start3A_567 = tpu.memref_slice %arg6[%dma_start3A_563, %dma_start3A_565, %dma_start3A_566] : memref<4x128x128xf32, #tpu.memory_space<vmem>> -> memref<1x128x128xf32, #tpu.memory_space<vmem>>
      %dma_start3A_568 = tpu.memref_squeeze %dma_start3A_567 : memref<1x128x128xf32, #tpu.memory_space<vmem>> -> memref<128x128xf32, #tpu.memory_space<vmem>>
      %dma_start3A_569 = tpu.memref_slice %arg5[%mul3A_562] : memref<25600xi32, #tpu.memory_space<vmem>> -> memref<128xi32, #tpu.memory_space<vmem>>
      %dma_start3A_570 = arith.constant 0 : i32
      %dma_start3A_571 = arith.constant 0 : i32
      %dma_start3A_572 = tpu.memref_slice %arg3[%dma_start3A_570, %dma_start3A_571] : memref<1000000x128xf32, #tpu.memory_space<hbm>> -> memref<1000000x128xf32, #tpu.memory_space<hbm>>
      %dma_start3A_573 = tpu.memref_slice %arg7[%dma_start3A_564] : memref<4x!tpu.dma_semaphore, #tpu.memory_space<semaphore_mem>> -> memref<1x!tpu.dma_semaphore, #tpu.memory_space<semaphore_mem>>
      %dma_start3A_574 = tpu.memref_squeeze %dma_start3A_573 : memref<1x!tpu.dma_semaphore, #tpu.memory_space<semaphore_mem>> -> memref<!tpu.dma_semaphore, #tpu.memory_space<semaphore_mem>>
      tpu.enqueue_indirect_dma source(%dma_start3A_572 : memref<1000000x128xf32, #tpu.memory_space<hbm>>) target(%dma_start3A_568 : memref<128x128xf32, #tpu.memory_space<vmem>>) offsets(%dma_start3A_569 : memref<128xi32, #tpu.memory_space<vmem>>) semaphore(%dma_start3A_574 : memref<!tpu.dma_semaphore, #tpu.memory_space<semaphore_mem>>)
    }
    %scan3A_133 = arith.constant 49 : i32
    %dma_wait3A_134 = arith.constant 2 : i32
    %dma_wait3A_135 = arith.constant 2 : i32
    %dma_wait3A_136 = arith.constant 0 : i32
    %dma_wait3A_137 = arith.constant 0 : i32
    %dma_wait3A_138 = tpu.memref_slice %arg6[%dma_wait3A_134, %dma_wait3A_136, %dma_wait3A_137] : memref<4x128x128xf32, #tpu.memory_space<vmem>> -> memref<1x128x128xf32, #tpu.memory_space<vmem>>
    %dma_wait3A_139 = tpu.memref_squeeze %dma_wait3A_138 : memref<1x128x128xf32, #tpu.memory_space<vmem>> -> memref<128x128xf32, #tpu.memory_space<vmem>>
    %dma_wait3A_140 = arith.constant 0 : i32
    %dma_wait3A_141 = arith.constant 0 : i32
    %dma_wait3A_142 = tpu.memref_slice %arg3[%dma_wait3A_140, %dma_wait3A_141] : memref<1000000x128xf32, #tpu.memory_space<hbm>> -> memref<128x128xf32, #tpu.memory_space<hbm>>
    %dma_wait3A_143 = tpu.memref_slice %arg7[%dma_wait3A_135] : memref<4x!tpu.dma_semaphore, #tpu.memory_space<semaphore_mem>> -> memref<1x!tpu.dma_semaphore, #tpu.memory_space<semaphore_mem>>
    %dma_wait3A_144 = tpu.memref_squeeze %dma_wait3A_143 : memref<1x!tpu.dma_semaphore, #tpu.memory_space<semaphore_mem>> -> memref<!tpu.dma_semaphore, #tpu.memory_space<semaphore_mem>>
    %dma_wait3A_145 = arith.constant 0 : i32
    %dma_wait3A_146 = arith.constant 0 : i32
    %dma_wait3A_147 = tpu.memref_slice %arg6[%dma_wait3A_134, %dma_wait3A_145, %dma_wait3A_146] : memref<4x128x128xf32, #tpu.memory_space<vmem>> -> memref<1x128x128xf32, #tpu.memory_space<vmem>>
    %dma_wait3A_148 = tpu.memref_squeeze %dma_wait3A_147 : memref<1x128x128xf32, #tpu.memory_space<vmem>> -> memref<128x128xf32, #tpu.memory_space<vmem>>
    %dma_wait3A_149 = arith.constant 0 : i32
    %dma_wait3A_150 = arith.constant 0 : i32
    %dma_wait3A_151 = tpu.memref_slice %arg3[%dma_wait3A_149, %dma_wait3A_150] : memref<1000000x128xf32, #tpu.memory_space<hbm>> -> memref<128x128xf32, #tpu.memory_space<hbm>>
    tpu.wait_dma2 semaphore(%dma_wait3A_144 : memref<!tpu.dma_semaphore, #tpu.memory_space<semaphore_mem>>) src(%dma_wait3A_151 : memref<128x128xf32, #tpu.memory_space<hbm>>) dst(%dma_wait3A_148 : memref<128x128xf32, #tpu.memory_space<vmem>>)
    %add3A_152 = arith.constant 25344 : i32
    %add3A_153 = arith.addi %mul3A_2, %add3A_152 : i32
    %dma_start3A_154 = arith.constant 2 : i32
    %dma_start3A_155 = arith.constant 2 : i32
    %dma_start3A_156 = arith.constant 0 : i32
    %dma_start3A_157 = arith.constant 0 : i32
    %dma_start3A_158 = tpu.memref_slice %arg6[%dma_start3A_154, %dma_start3A_156, %dma_start3A_157] : memref<4x128x128xf32, #tpu.memory_space<vmem>> -> memref<1x128x128xf32, #tpu.memory_space<vmem>>
    %dma_start3A_159 = tpu.memref_squeeze %dma_start3A_158 : memref<1x128x128xf32, #tpu.memory_space<vmem>> -> memref<128x128xf32, #tpu.memory_space<vmem>>
    %dma_start3A_160 = arith.constant 0 : i32
    %dma_start3A_161 = tpu.memref_slice %arg4[%add3A_153, %dma_start3A_160] : memref<819200x128xf32, #tpu.memory_space<hbm>> -> memref<128x128xf32, #tpu.memory_space<hbm>>
    %dma_start3A_162 = tpu.memref_slice %arg8[%dma_start3A_155] : memref<4x!tpu.dma_semaphore, #tpu.memory_space<semaphore_mem>> -> memref<1x!tpu.dma_semaphore, #tpu.memory_space<semaphore_mem>>
    %dma_start3A_163 = tpu.memref_squeeze %dma_start3A_162 : memref<1x!tpu.dma_semaphore, #tpu.memory_space<semaphore_mem>> -> memref<!tpu.dma_semaphore, #tpu.memory_space<semaphore_mem>>
    %dma_start3A_164 = arith.constant 0 : i32
    %dma_start3A_165 = tpu.memref_slice %arg4[%add3A_153, %dma_start3A_164] : memref<819200x128xf32, #tpu.memory_space<hbm>> -> memref<128x128xf32, #tpu.memory_space<hbm>>
    %dma_start3A_166 = arith.constant 0 : i32
    %dma_start3A_167 = arith.constant 0 : i32
    %dma_start3A_168 = tpu.memref_slice %arg6[%dma_start3A_154, %dma_start3A_166, %dma_start3A_167] : memref<4x128x128xf32, #tpu.memory_space<vmem>> -> memref<1x128x128xf32, #tpu.memory_space<vmem>>
    %dma_start3A_169 = tpu.memref_squeeze %dma_start3A_168 : memref<1x128x128xf32, #tpu.memory_space<vmem>> -> memref<128x128xf32, #tpu.memory_space<vmem>>
    tpu.enqueue_dma source(%dma_start3A_169 : memref<128x128xf32, #tpu.memory_space<vmem>>) target(%dma_start3A_165 : memref<128x128xf32, #tpu.memory_space<hbm>>) target_semaphore(%dma_start3A_163 : memref<!tpu.dma_semaphore, #tpu.memory_space<semaphore_mem>>)
    %dma_wait3A_170 = arith.constant 3 : i32
    %dma_wait3A_171 = arith.constant 3 : i32
    %dma_wait3A_172 = arith.constant 0 : i32
    %dma_wait3A_173 = arith.constant 0 : i32
    %dma_wait3A_174 = tpu.memref_slice %arg6[%dma_wait3A_170, %dma_wait3A_172, %dma_wait3A_173] : memref<4x128x128xf32, #tpu.memory_space<vmem>> -> memref<1x128x128xf32, #tpu.memory_space<vmem>>
    %dma_wait3A_175 = tpu.memref_squeeze %dma_wait3A_174 : memref<1x128x128xf32, #tpu.memory_space<vmem>> -> memref<128x128xf32, #tpu.memory_space<vmem>>
    %dma_wait3A_176 = arith.constant 0 : i32
    %dma_wait3A_177 = arith.constant 0 : i32
    %dma_wait3A_178 = tpu.memref_slice %arg3[%dma_wait3A_176, %dma_wait3A_177] : memref<1000000x128xf32, #tpu.memory_space<hbm>> -> memref<128x128xf32, #tpu.memory_space<hbm>>
    %dma_wait3A_179 = tpu.memref_slice %arg7[%dma_wait3A_171] : memref<4x!tpu.dma_semaphore, #tpu.memory_space<semaphore_mem>> -> memref<1x!tpu.dma_semaphore, #tpu.memory_space<semaphore_mem>>
    %dma_wait3A_180 = tpu.memref_squeeze %dma_wait3A_179 : memref<1x!tpu.dma_semaphore, #tpu.memory_space<semaphore_mem>> -> memref<!tpu.dma_semaphore, #tpu.memory_space<semaphore_mem>>
    %dma_wait3A_181 = arith.constant 0 : i32
    %dma_wait3A_182 = arith.constant 0 : i32
    %dma_wait3A_183 = tpu.memref_slice %arg6[%dma_wait3A_170, %dma_wait3A_181, %dma_wait3A_182] : memref<4x128x128xf32, #tpu.memory_space<vmem>> -> memref<1x128x128xf32, #tpu.memory_space<vmem>>
    %dma_wait3A_184 = tpu.memref_squeeze %dma_wait3A_183 : memref<1x128x128xf32, #tpu.memory_space<vmem>> -> memref<128x128xf32, #tpu.memory_space<vmem>>
    %dma_wait3A_185 = arith.constant 0 : i32
    %dma_wait3A_186 = arith.constant 0 : i32
    %dma_wait3A_187 = tpu.memref_slice %arg3[%dma_wait3A_185, %dma_wait3A_186] : memref<1000000x128xf32, #tpu.memory_space<hbm>> -> memref<128x128xf32, #tpu.memory_space<hbm>>
    tpu.wait_dma2 semaphore(%dma_wait3A_180 : memref<!tpu.dma_semaphore, #tpu.memory_space<semaphore_mem>>) src(%dma_wait3A_187 : memref<128x128xf32, #tpu.memory_space<hbm>>) dst(%dma_wait3A_184 : memref<128x128xf32, #tpu.memory_space<vmem>>)
    %add3A_188 = arith.constant 25472 : i32
    %add3A_189 = arith.addi %mul3A_2, %add3A_188 : i32
    %dma_start3A_190 = arith.constant 3 : i32
    %dma_start3A_191 = arith.constant 3 : i32
    %dma_start3A_192 = arith.constant 0 : i32
    %dma_start3A_193 = arith.constant 0 : i32
    %dma_start3A_194 = tpu.memref_slice %arg6[%dma_start3A_190, %dma_start3A_192, %dma_start3A_193] : memref<4x128x128xf32, #tpu.memory_space<vmem>> -> memref<1x128x128xf32, #tpu.memory_space<vmem>>
    %dma_start3A_195 = tpu.memref_squeeze %dma_start3A_194 : memref<1x128x128xf32, #tpu.memory_space<vmem>> -> memref<128x128xf32, #tpu.memory_space<vmem>>
    %dma_start3A_196 = arith.constant 0 : i32
    %dma_start3A_197 = tpu.memref_slice %arg4[%add3A_189, %dma_start3A_196] : memref<819200x128xf32, #tpu.memory_space<hbm>> -> memref<128x128xf32, #tpu.memory_space<hbm>>
    %dma_start3A_198 = tpu.memref_slice %arg8[%dma_start3A_191] : memref<4x!tpu.dma_semaphore, #tpu.memory_space<semaphore_mem>> -> memref<1x!tpu.dma_semaphore, #tpu.memory_space<semaphore_mem>>
    %dma_start3A_199 = tpu.memref_squeeze %dma_start3A_198 : memref<1x!tpu.dma_semaphore, #tpu.memory_space<semaphore_mem>> -> memref<!tpu.dma_semaphore, #tpu.memory_space<semaphore_mem>>
    %dma_start3A_200 = arith.constant 0 : i32
    %dma_start3A_201 = tpu.memref_slice %arg4[%add3A_189, %dma_start3A_200] : memref<819200x128xf32, #tpu.memory_space<hbm>> -> memref<128x128xf32, #tpu.memory_space<hbm>>
    %dma_start3A_202 = arith.constant 0 : i32
    %dma_start3A_203 = arith.constant 0 : i32
    %dma_start3A_204 = tpu.memref_slice %arg6[%dma_start3A_190, %dma_start3A_202, %dma_start3A_203] : memref<4x128x128xf32, #tpu.memory_space<vmem>> -> memref<1x128x128xf32, #tpu.memory_space<vmem>>
    %dma_start3A_205 = tpu.memref_squeeze %dma_start3A_204 : memref<1x128x128xf32, #tpu.memory_space<vmem>> -> memref<128x128xf32, #tpu.memory_space<vmem>>
    tpu.enqueue_dma source(%dma_start3A_205 : memref<128x128xf32, #tpu.memory_space<vmem>>) target(%dma_start3A_201 : memref<128x128xf32, #tpu.memory_space<hbm>>) target_semaphore(%dma_start3A_199 : memref<!tpu.dma_semaphore, #tpu.memory_space<semaphore_mem>>)
    %dma_wait3A_206 = arith.constant 0 : i32
    %dma_wait3A_207 = arith.constant 0 : i32
    %dma_wait3A_208 = arith.constant 0 : i32
    %dma_wait3A_209 = arith.constant 0 : i32
    %dma_wait3A_210 = tpu.memref_slice %arg6[%dma_wait3A_206, %dma_wait3A_208, %dma_wait3A_209] : memref<4x128x128xf32, #tpu.memory_space<vmem>> -> memref<1x128x128xf32, #tpu.memory_space<vmem>>
    %dma_wait3A_211 = tpu.memref_squeeze %dma_wait3A_210 : memref<1x128x128xf32, #tpu.memory_space<vmem>> -> memref<128x128xf32, #tpu.memory_space<vmem>>
    %dma_wait3A_212 = arith.constant 0 : i32
    %dma_wait3A_213 = arith.constant 0 : i32
    %dma_wait3A_214 = tpu.memref_slice %arg3[%dma_wait3A_212, %dma_wait3A_213] : memref<1000000x128xf32, #tpu.memory_space<hbm>> -> memref<128x128xf32, #tpu.memory_space<hbm>>
    %dma_wait3A_215 = tpu.memref_slice %arg8[%dma_wait3A_207] : memref<4x!tpu.dma_semaphore, #tpu.memory_space<semaphore_mem>> -> memref<1x!tpu.dma_semaphore, #tpu.memory_space<semaphore_mem>>
    %dma_wait3A_216 = tpu.memref_squeeze %dma_wait3A_215 : memref<1x!tpu.dma_semaphore, #tpu.memory_space<semaphore_mem>> -> memref<!tpu.dma_semaphore, #tpu.memory_space<semaphore_mem>>
    %dma_wait3A_217 = arith.constant 0 : i32
    %dma_wait3A_218 = arith.constant 0 : i32
    %dma_wait3A_219 = tpu.memref_slice %arg6[%dma_wait3A_206, %dma_wait3A_217, %dma_wait3A_218] : memref<4x128x128xf32, #tpu.memory_space<vmem>> -> memref<1x128x128xf32, #tpu.memory_space<vmem>>
    %dma_wait3A_220 = tpu.memref_squeeze %dma_wait3A_219 : memref<1x128x128xf32, #tpu.memory_space<vmem>> -> memref<128x128xf32, #tpu.memory_space<vmem>>
    %dma_wait3A_221 = arith.constant 0 : i32
    %dma_wait3A_222 = arith.constant 0 : i32
    %dma_wait3A_223 = tpu.memref_slice %arg3[%dma_wait3A_221, %dma_wait3A_222] : memref<1000000x128xf32, #tpu.memory_space<hbm>> -> memref<128x128xf32, #tpu.memory_space<hbm>>
    tpu.wait_dma2 semaphore(%dma_wait3A_216 : memref<!tpu.dma_semaphore, #tpu.memory_space<semaphore_mem>>) src(%dma_wait3A_223 : memref<128x128xf32, #tpu.memory_space<hbm>>) dst(%dma_wait3A_220 : memref<128x128xf32, #tpu.memory_space<vmem>>)
    %dma_wait3A_224 = arith.constant 1 : i32
    %dma_wait3A_225 = arith.constant 1 : i32
    %dma_wait3A_226 = arith.constant 0 : i32
    %dma_wait3A_227 = arith.constant 0 : i32
    %dma_wait3A_228 = tpu.memref_slice %arg6[%dma_wait3A_224, %dma_wait3A_226, %dma_wait3A_227] : memref<4x128x128xf32, #tpu.memory_space<vmem>> -> memref<1x128x128xf32, #tpu.memory_space<vmem>>
    %dma_wait3A_229 = tpu.memref_squeeze %dma_wait3A_228 : memref<1x128x128xf32, #tpu.memory_space<vmem>> -> memref<128x128xf32, #tpu.memory_space<vmem>>
    %dma_wait3A_230 = arith.constant 0 : i32
    %dma_wait3A_231 = arith.constant 0 : i32
    %dma_wait3A_232 = tpu.memref_slice %arg3[%dma_wait3A_230, %dma_wait3A_231] : memref<1000000x128xf32, #tpu.memory_space<hbm>> -> memref<128x128xf32, #tpu.memory_space<hbm>>
    %dma_wait3A_233 = tpu.memref_slice %arg8[%dma_wait3A_225] : memref<4x!tpu.dma_semaphore, #tpu.memory_space<semaphore_mem>> -> memref<1x!tpu.dma_semaphore, #tpu.memory_space<semaphore_mem>>
    %dma_wait3A_234 = tpu.memref_squeeze %dma_wait3A_233 : memref<1x!tpu.dma_semaphore, #tpu.memory_space<semaphore_mem>> -> memref<!tpu.dma_semaphore, #tpu.memory_space<semaphore_mem>>
    %dma_wait3A_235 = arith.constant 0 : i32
    %dma_wait3A_236 = arith.constant 0 : i32
    %dma_wait3A_237 = tpu.memref_slice %arg6[%dma_wait3A_224, %dma_wait3A_235, %dma_wait3A_236] : memref<4x128x128xf32, #tpu.memory_space<vmem>> -> memref<1x128x128xf32, #tpu.memory_space<vmem>>
    %dma_wait3A_238 = tpu.memref_squeeze %dma_wait3A_237 : memref<1x128x128xf32, #tpu.memory_space<vmem>> -> memref<128x128xf32, #tpu.memory_space<vmem>>
    %dma_wait3A_239 = arith.constant 0 : i32
    %dma_wait3A_240 = arith.constant 0 : i32
    %dma_wait3A_241 = tpu.memref_slice %arg3[%dma_wait3A_239, %dma_wait3A_240] : memref<1000000x128xf32, #tpu.memory_space<hbm>> -> memref<128x128xf32, #tpu.memory_space<hbm>>
    tpu.wait_dma2 semaphore(%dma_wait3A_234 : memref<!tpu.dma_semaphore, #tpu.memory_space<semaphore_mem>>) src(%dma_wait3A_241 : memref<128x128xf32, #tpu.memory_space<hbm>>) dst(%dma_wait3A_238 : memref<128x128xf32, #tpu.memory_space<vmem>>)
    %dma_wait3A_242 = arith.constant 2 : i32
    %dma_wait3A_243 = arith.constant 2 : i32
    %dma_wait3A_244 = arith.constant 0 : i32
    %dma_wait3A_245 = arith.constant 0 : i32
    %dma_wait3A_246 = tpu.memref_slice %arg6[%dma_wait3A_242, %dma_wait3A_244, %dma_wait3A_245] : memref<4x128x128xf32, #tpu.memory_space<vmem>> -> memref<1x128x128xf32, #tpu.memory_space<vmem>>
    %dma_wait3A_247 = tpu.memref_squeeze %dma_wait3A_246 : memref<1x128x128xf32, #tpu.memory_space<vmem>> -> memref<128x128xf32, #tpu.memory_space<vmem>>
    %dma_wait3A_248 = arith.constant 0 : i32
    %dma_wait3A_249 = arith.constant 0 : i32
    %dma_wait3A_250 = tpu.memref_slice %arg3[%dma_wait3A_248, %dma_wait3A_249] : memref<1000000x128xf32, #tpu.memory_space<hbm>> -> memref<128x128xf32, #tpu.memory_space<hbm>>
    %dma_wait3A_251 = tpu.memref_slice %arg8[%dma_wait3A_243] : memref<4x!tpu.dma_semaphore, #tpu.memory_space<semaphore_mem>> -> memref<1x!tpu.dma_semaphore, #tpu.memory_space<semaphore_mem>>
    %dma_wait3A_252 = tpu.memref_squeeze %dma_wait3A_251 : memref<1x!tpu.dma_semaphore, #tpu.memory_space<semaphore_mem>> -> memref<!tpu.dma_semaphore, #tpu.memory_space<semaphore_mem>>
    %dma_wait3A_253 = arith.constant 0 : i32
    %dma_wait3A_254 = arith.constant 0 : i32
    %dma_wait3A_255 = tpu.memref_slice %arg6[%dma_wait3A_242, %dma_wait3A_253, %dma_wait3A_254] : memref<4x128x128xf32, #tpu.memory_space<vmem>> -> memref<1x128x128xf32, #tpu.memory_space<vmem>>
    %dma_wait3A_256 = tpu.memref_squeeze %dma_wait3A_255 : memref<1x128x128xf32, #tpu.memory_space<vmem>> -> memref<128x128xf32, #tpu.memory_space<vmem>>
    %dma_wait3A_257 = arith.constant 0 : i32
    %dma_wait3A_258 = arith.constant 0 : i32
    %dma_wait3A_259 = tpu.memref_slice %arg3[%dma_wait3A_257, %dma_wait3A_258] : memref<1000000x128xf32, #tpu.memory_space<hbm>> -> memref<128x128xf32, #tpu.memory_space<hbm>>
    tpu.wait_dma2 semaphore(%dma_wait3A_252 : memref<!tpu.dma_semaphore, #tpu.memory_space<semaphore_mem>>) src(%dma_wait3A_259 : memref<128x128xf32, #tpu.memory_space<hbm>>) dst(%dma_wait3A_256 : memref<128x128xf32, #tpu.memory_space<vmem>>)
    %dma_wait3A_260 = arith.constant 3 : i32
    %dma_wait3A_261 = arith.constant 3 : i32
    %dma_wait3A_262 = arith.constant 0 : i32
    %dma_wait3A_263 = arith.constant 0 : i32
    %dma_wait3A_264 = tpu.memref_slice %arg6[%dma_wait3A_260, %dma_wait3A_262, %dma_wait3A_263] : memref<4x128x128xf32, #tpu.memory_space<vmem>> -> memref<1x128x128xf32, #tpu.memory_space<vmem>>
    %dma_wait3A_265 = tpu.memref_squeeze %dma_wait3A_264 : memref<1x128x128xf32, #tpu.memory_space<vmem>> -> memref<128x128xf32, #tpu.memory_space<vmem>>
    %dma_wait3A_266 = arith.constant 0 : i32
    %dma_wait3A_267 = arith.constant 0 : i32
    %dma_wait3A_268 = tpu.memref_slice %arg3[%dma_wait3A_266, %dma_wait3A_267] : memref<1000000x128xf32, #tpu.memory_space<hbm>> -> memref<128x128xf32, #tpu.memory_space<hbm>>
    %dma_wait3A_269 = tpu.memref_slice %arg8[%dma_wait3A_261] : memref<4x!tpu.dma_semaphore, #tpu.memory_space<semaphore_mem>> -> memref<1x!tpu.dma_semaphore, #tpu.memory_space<semaphore_mem>>
    %dma_wait3A_270 = tpu.memref_squeeze %dma_wait3A_269 : memref<1x!tpu.dma_semaphore, #tpu.memory_space<semaphore_mem>> -> memref<!tpu.dma_semaphore, #tpu.memory_space<semaphore_mem>>
    %dma_wait3A_271 = arith.constant 0 : i32
    %dma_wait3A_272 = arith.constant 0 : i32
    %dma_wait3A_273 = tpu.memref_slice %arg6[%dma_wait3A_260, %dma_wait3A_271, %dma_wait3A_272] : memref<4x128x128xf32, #tpu.memory_space<vmem>> -> memref<1x128x128xf32, #tpu.memory_space<vmem>>
    %dma_wait3A_274 = tpu.memref_squeeze %dma_wait3A_273 : memref<1x128x128xf32, #tpu.memory_space<vmem>> -> memref<128x128xf32, #tpu.memory_space<vmem>>
    %dma_wait3A_275 = arith.constant 0 : i32
    %dma_wait3A_276 = arith.constant 0 : i32
    %dma_wait3A_277 = tpu.memref_slice %arg3[%dma_wait3A_275, %dma_wait3A_276] : memref<1000000x128xf32, #tpu.memory_space<hbm>> -> memref<128x128xf32, #tpu.memory_space<hbm>>
    tpu.wait_dma2 semaphore(%dma_wait3A_270 : memref<!tpu.dma_semaphore, #tpu.memory_space<semaphore_mem>>) src(%dma_wait3A_277 : memref<128x128xf32, #tpu.memory_space<hbm>>) dst(%dma_wait3A_274 : memref<128x128xf32, #tpu.memory_space<vmem>>)
    return
  }
}

</mosaic_0001>

<sc_bundles>
// kernel: kernel.3.cloned.1.call-start
scs
__scs_entry_jumppad:
0x0: {  	(pc) =	sbr.rel $0x88, $3  }
0x1: {  	(tag) =	ssettag $0x0;
	lr =	simm.s32 $0x1  }
0x2: {  	[smem:$0x3F9F] =	sst lr;
	_ =	strace $0xD0000000  }
0x3: {  	_ = 	snop  }
0x4: {  	_ = 	snop  }
0x5: {  	_ = 	snop  }
0x6: {  	_ = 	snop  }
0x7: {  	_ = 	snop  }
__scs_overlays_trampoline_lowered:
0x8: {  	[smem:$0x3FAE] =	sst s0  }
0x9: {  	[smem:$0x3FAF] =	sst s1  }
0xa: {  	[smem:$0x3FB0] =	sst s2  }
0xb: {  	[smem:$0x3FB1] =	sst s3  }
0xc: {  	[smem:$0x3FB2] =	sst s4  }
0xd: {  	[smem:$0x3FB3] =	sst s5  }
0xe: {  	[smem:$0x3FB4] =	sst s6  }
0xf: {  	[smem:$0x3FB5] =	sst s7  }
0x10: {  	[smem:$0x3FB6] =	sst s8  }
0x11: {  	[smem:$0x3FB7] =	sst s9;
	s0 =	simm.s32 @!p0 $0x0  }
0x12: {  	s1 =	sld [smem:$0x3F9D];
	s0 =	simm.s32 @p0 $0x1  }
0x13: {  	[smem:$0x3FB8] =	sst s0;
	s0 =	simm.s32 @!p1 $0x0  }
0x14: {  	s2 =	sld [smem:$0x3F9C];
	s0 =	simm.s32 @p1 $0x1  }
0x15: {  	[smem:$0x3FB9] =	sst s0;
	s0 =	simm.s32 @!p2 $0x0  }
0x16: {  	s3 =	sld [smem:$0x3FDB];
	s0 =	simm.s32 @p2 $0x1  }
0x17: {  	s4 =	simm.s32 $0x1BF5;
	[smem:$0x3FBB] =	sst s0  }
0x18: {  	s0 =	sld [smem:$0x3F9E];
	_ =	swait.ge [sflag:s4], $0x0  }
0x19: {  	s7 =	sld [smem:$0x3F9F]  }
0x1a: {  	s8 =	sadd.s32 $0xFFFFE003, lr  }
0x1b: {  	s9 =	sadd.s32 $0xFFFFFEF7, lr;
	s5 =	simm.s32 $0xFFFFFFFF;
	p2 =	slt.u32 s8, $0xFFFFF086  }
0x1c: {  	p1 =	slt.u32 s9, $0xF7A;
	s5 =	simm.s32 @!p2 $0x0  }
0x1d: {  	s5 =	simm.s32 @p1 $0x1;
	p0 =	seq.s32 s7, s2  }
0x1e: {  	s7 =	smul.u32 @!p0 $0xF7A, s2;
	p2 =	seq.s32 @!p0 s5, $0x0  }
0x1f: {  	s9 =	smul.u32 $0xF7A, s1;
	s8 =	simm.s32 @!p0 $0x1BF5;
	p2 =	por !p2, p0  }
0x20: {  	[sflag:s8] =	ssyncset.s32 @!p0 $0xFFFFF086;
	s6 =	sadd.s32 @!p0 s3, s7;
	s7 =	simm.s32 @!p0 $0x108  }
0x21: {  	s3 =	sadd.s32 s3, s9;
	s6 =	sadd.s32 @!p0 $0x88, s6;
	s7 =	simm.s32 @p2 $0x1082  }
0x22: {  	[simem:s7], [sflag:s8] =	dma.local @!p0 [hbm:s6], $0xF7A  }
0x23: {  	s9 =	sor.u32 $0xD0000000, s2;
	s6 =	simm.s32 $0x108;
	_ =	swait.ge @!p0 [sflag:s8], $0x0  }
0x24: {  	s3 =	sadd.s32 $0x88, s3;
	s6 =	simm.s32 @!p1 $0x1082;
	[sflag:s4] =	ssyncset.s32 $0xFFFFF086  }
0x25: {  	[simem:s6], [sflag:s4] =	dma.local [hbm:s3], $0xF7A  }
0x26: {  	[smem:$0x3F9F] =	sst s1;
	(tag) =	ssettag s2;
	_ =	strace s9  }
0x27: {  	s1 =	sld [smem:$0x3FAF]  }
0x28: {  	s2 =	sld [smem:$0x3FB0]  }
0x29: {  	s4 =	sld [smem:$0x3FB2]  }
0x2a: {  	p0 =	seq.s32 s5, $0x0;
	s5 =	sld [smem:$0x3FB3]  }
0x2b: {  	s6 =	sld [smem:$0x3FB4]  }
0x2c: {  	s7 =	sld [smem:$0x3FB5]  }
0x2d: {  	s3 =	simm.s32 $0x108;
	s8 =	sld [smem:$0x3FB6]  }
0x2e: {  	s3 =	simm.s32 @!p0 $0x1082;
	s9 =	sld [smem:$0x3FB7]  }
0x2f: {  	lr =	sadd.s32 s0, s3;
	s0 =	sld [smem:$0x3FAE]  }
0x30: {  	s3 =	sld [smem:$0x3FB1]  }
0x31: {  	[smem:$0x3FBA] =	sst s10  }
0x32: {  	s10 =	sld [smem:$0x3FB8];
	_ =	sdelay $0x3  }
0x33: {  	p0 =	seq.s32 s10, $0x1;
	s10 =	sld [smem:$0x3FBA];
	_ =	sdelay $0x3  }
0x34: {  	[smem:$0x3FBA] =	sst s10  }
0x35: {  	s10 =	sld [smem:$0x3FB9];
	_ =	sdelay $0x3  }
0x36: {  	p1 =	seq.s32 s10, $0x1;
	s10 =	sld [smem:$0x3FBA];
	_ =	sdelay $0x3  }
0x37: {  	[smem:$0x3FBA] =	sst s10  }
0x38: {  	s10 =	sld [smem:$0x3FBB]  }
0x39: {  	_ = 	snop;
	(pc) =	sbr.ind lr, $3  }
0x3a: {  	_ = 	snop  }
0x3b: {  	_ = 	snop  }
0x3c: {  	p2 =	seq.s32 s10, $0x1;
	s10 =	sld [smem:$0x3FBA]  }
0x3d: {  	_ =	shalt  }
0x3e: {  	_ =	shalt  }
0x3f: {  	_ =	shalt  }
0x40: {  	_ =	shalt  }
0x41: {  	_ =	shalt  }
0x42: {  	_ =	shalt  }
0x43: {  	_ =	shalt  }
0x44: {  	_ =	shalt  }
0x45: {  	_ =	shalt  }
0x46: {  	_ =	shalt  }
0x47: {  	_ =	shalt  }
0x48: {  	_ =	shalt  }
0x49: {  	_ =	shalt  }
0x4a: {  	_ =	shalt  }
0x4b: {  	_ =	shalt  }
0x4c: {  	_ =	shalt  }
0x4d: {  	_ =	shalt  }
0x4e: {  	_ =	shalt  }
0x4f: {  	_ =	shalt  }
0x50: {  	_ =	shalt  }
0x51: {  	_ =	shalt  }
0x52: {  	_ =	shalt  }
0x53: {  	_ =	shalt  }
0x54: {  	_ =	shalt  }
0x55: {  	_ =	shalt  }
0x56: {  	_ =	shalt  }
0x57: {  	_ =	shalt  }
0x58: {  	_ =	shalt  }
0x59: {  	_ =	shalt  }
0x5a: {  	_ =	shalt  }
0x5b: {  	_ =	shalt  }
0x5c: {  	_ =	shalt  }
0x5d: {  	_ =	shalt  }
0x5e: {  	_ =	shalt  }
0x5f: {  	_ =	shalt  }
0x60: {  	_ =	shalt  }
0x61: {  	_ =	shalt  }
0x62: {  	_ =	shalt  }
0x63: {  	_ =	shalt  }
0x64: {  	_ =	shalt  }
0x65: {  	_ =	shalt  }
0x66: {  	_ =	shalt  }
0x67: {  	_ =	shalt  }
0x68: {  	_ =	shalt  }
0x69: {  	_ =	shalt  }
0x6a: {  	_ =	shalt  }
0x6b: {  	_ =	shalt  }
0x6c: {  	_ =	shalt  }
0x6d: {  	_ =	shalt  }
0x6e: {  	_ =	shalt  }
0x6f: {  	_ =	shalt  }
0x70: {  	_ =	shalt  }
0x71: {  	_ =	shalt  }
0x72: {  	_ =	shalt  }
0x73: {  	_ =	shalt  }
0x74: {  	_ =	shalt  }
0x75: {  	_ =	shalt  }
0x76: {  	_ =	shalt  }
0x77: {  	_ =	shalt  }
0x78: {  	_ =	shalt  }
0x79: {  	_ =	shalt  }
0x7a: {  	_ =	shalt  }
0x7b: {  	_ =	shalt  }
0x7c: {  	_ =	shalt  }
0x7d: {  	_ =	shalt  }
0x7e: {  	_ =	shalt  }
0x7f: {  	_ =	shalt  }
0x80: {  	_ =	shalt  }
0x81: {  	_ =	shalt  }
0x82: {  	_ =	shalt  }
0x83: {  	_ =	shalt  }
0x84: {  	_ =	shalt  }
0x85: {  	_ =	shalt  }
0x86: {  	_ =	shalt  }
0x87: {  	_ =	shalt  }
.Lfunc_end0:
.L_simem_size_0:
called_computation.1_lowered:
.L_overlay_start_0:
0x88: {  	s2 =	sld [smem:$0x3FD9]  }
0x89: {  	s3 =	sld [smem:$0x3FFE];
	_ =	sdelay $0x1  }
0x8a: {  	s1 =	srdreg.scid  }
0x8b: {  	s0 =	sand.u32 $0x1, s1  }
0x8c: {  	s17 =	sshll.u32 s0, $0xA;
	s2 =	sadd.s32 s3, s2  }
0x8d: {  	s2 =	sadd.s32 s2, s17  }
0x8e: {  	[smem:$0x3FC6] =	sst s2  }
0x8f: {  	_ = 	snop  }
0x90: {  	s2 =	sld [smem:$0x3FD0];
	(tm) =	ssettm $0x1  }
0x91: {  	s18 =	sld [smem:$0x3FFB];
	_ =	sdelay $0x3  }
0x92: {  	_ =	strace s18  }
0x93: {  	s3 =	sld [smem:$0x3FFC];
	_ =	sdelay $0x3  }
0x94: {  	_ =	strace s3  }
0x95: {  	s3 =	sld [smem:$0x3FFD];
	_ =	sdelay $0x3  }
0x96: {  	_ =	strace s3  }
0x97: {  	_ =	strace $0x8FFFFFFF  }
0x98: {  	s19 =	sld [smem:$0x3FDB];
	_ =	sdelay $0x1  }
0x99: {  	s4 =	simm.s32 $_scs_section_size  }
0x9a: {  	s5 =	simm.s32 $_size__tile_overlayer_lowered;
	s6 =	simm.s32 $_tile_overlayer_lowered  }
0x9b: {  	s22 =	simm.s32 $0x1BFF;
	s21 =	sshll.u32 s6, $0x1;
	s3 =	sadd.s32 s4, s19  }
0x9c: {  	s7 =	simm.s32 $0x0;
	s20 =	sshll.u32 s5, $0x1;
	s5 =	sadd.s32 s21, s3  }
0x9d: {  	[timem:s7], [sflag:s22] =	dma.local [hbm:s5], s20  }
0x9e: {  	_ =	swait.ge [sflag:s22], s20  }
0x9f: {  	s4 =	ssub.s32 $0x0, s20;
	[sflag:s22] =	ssyncset.done $0x0  }
0xa0: {  	[sflag:s22] =	ssyncadd.s32 s4;
	_ =	sdelay $0x1  }
0xa1: {  	s23 =	simm.s32 $0x1B8B  }
0xa2: {  	_ =	swait.ge [sflag:s23], $0x1  }
0xa3: {  	[sflag:s23] =	ssyncset.done $0x0  }
0xa4: {  	s25 =	simm.s32 $0x1B8E;
	s24 =	sld [smem:$0x3FFE];
	[sflag:s23] =	ssyncadd.s32 $0xFFFFFFFF  }
0xa5: {  	s26 =	simm.s32 $execute0_lowered;
	[smem:$0x3FD2] =	sst s25  }
0xa6: {  	s5 =	sshll.u32 s26, $0x1;
	_ =	strace $0x80000046;
	[dreg:$0x1] =	wrdreg $0xFFFFFFFF  }
0xa7: {  	s28 =	simm.s32 $_size_execute0_lowered;
	s3 =	sadd.s32 s3, s5;
	[dreg:$0x0] =	wrdreg $0x0  }
0xa8: {  	s5 =	sshll.u32 s28, $0x1;
	[dreg:$0x2] =	wrdreg s3  }
0xa9: {  	[dreg:$0x3] =	wrdreg s5  }
0xaa: {  	[dreg:$0x4] =	wrdreg $0xC0  }
0xab: {  	_ =	task [dreg:s7], $0x5FFFF  }
0xac: {  	[dreg:$0x1] =	wrdreg $0xFFFFFFFF  }
0xad: {  	[dreg:$0x0] =	wrdreg $0x60  }
0xae: {  	[dreg:$0x2] =	wrdreg s2  }
0xaf: {  	[dreg:$0x3] =	wrdreg s24  }
0xb0: {  	[dreg:$0x4] =	wrdreg $0x9  }
0xb1: {  	_ =	task.clear_ibuf [dreg:s7], $0x5FFFF;
	_ =	strace $0x90000046  }
0xb2: {  	s29 =	simm.s32 $0x9;
	_ =	strace $0x80000048  }
0xb3: {  	_ =	swait.ge [sflag:s29], $0x1  }
0xb4: {  	[sflag:s29] =	ssyncadd.s32 $0xFFFFFFFF  }
0xb5: {  	_ =	strace $0x90000048  }
0xb6: {  	_ =	sfence  }
0xb7: {  	s30 =	sld [smem:$0x0];
	_ =	sdelay $0x2  }
0xb8: {  	s31 =	sshll.u32 s1, $0xD;
	s1 =	sshrl.u32 s1, $0x2  }
0xb9: {  	s3 =	sand.u32 $0x4000, s31;
	s1 =	sadd.s32 s1, s30  }
0xba: {  	s0 =	sor.u32 s3, s0;
	s1 =	sshll.u32 s1, $0x11  }
0xbb: {  	s0 =	sor.u32 s1, s0  }
0xbc: {  	s0 =	sadd.s32 $0x8F2B, s0  }
0xbd: {  	[sflag:s0] =	ssyncadd.remote.s32 $0x1  }
0xbe: {  	_ =	sfence.sel $0xFFFF  }
0xbf: {  	[dreg:$0x0] =	wrdreg $0xFFFFFFFF;
	(pc) =	sbr.abs _section_cstart, $3  }
0xc0: {  	[dreg:$0x1] =	wrdreg $0xFFFFFFFF  }
0xc1: {  	_ =	task.clear_ibuf [dreg:s7], $0x2FFFF;
	_ =	strace $0x9FFFFFFF  }
0xc2: {  	(tm) =	ssettm $0x7FFFFFFF  }
0xc3: {  	_ =	shalt  }
tec
execute0_lowered:
.L_overlay_start_1:
0x0: {  	(tag) =	ssettag $0x1  }
0x1: {  	s4 =	rddreg [dreg:$0x0]  }
0x2: {  	s5 =	rddreg [dreg:$0x1];
	s2 =	simm.s32 $0x0;
	s3 =	srdreg.scid  }
0x3: {  	s1 =	stileid.u32;
	s13 =	simm.s32 $0x6400;
	s14 =	simm.s32 $0xA400  }
0x4: {  	s15 =	simm.s32 $0x1;
	s16 =	simm.s32 $0x100;
	s17 =	simm.s32 $0xE400  }
0x5: {  	s18 =	simm.s32 $0x2;
	s19 =	simm.s32 $0x180;
	s20 =	simm.s32 $0x12400  }
0x6: {  	s21 =	simm.s32 $0x3;
	s22 =	simm.s32 $0x5;
	s23 =	simm.s32 $0x4  }
0x7: {  	s6 =	sand.u32 $0x1, s3;
	s24 =	sshll.u32 s1, $0x1;
	s30 =	smul.u32 $0xC8000, s1  }
0x8: {  	s28 =	simm.s32 $0x0;
	s7 =	sor.u32 s6, s24;
	s31 =	smul.u32 $0x64000, s6  }
0x9: {  	[smem:$0x7FF] =	sst s2;
	s3 =	sadd.s32 $0xF42E00, s5;
	s9 =	smul.u32 $0x6400, s7  }
0xa: {  	s10 =	sadd.s32 $0xA00, s5;
	s8 =	ssub.s32 $0x2, s6;
	s11 =	smul.u32 $0x320000, s7  }
0xb: {  	_ =	strace $0x80000047;
	s25 =	sshrl.u32 s8, $0x1;
	s7 =	smul.u32 $0x64000, s7  }
0xc: {  	s24 =	simm.s32 $0x6;
	s12 =	ssub.s32 s8, s25;
	s25 =	simm.s32 $0x7  }
0xd: {  	s26 =	sshrl.u32 s9, $0x3;
	s29 =	sshrl.u32 s11, $0x3;
	s5 =	sadd.s32 s10, s7  }
0xe: {  	s9 =	smax.u32 s12, $0x1;
	s11 =	simm.s32 $0x9;
	s12 =	simm.s32 $0x80  }
0xf: {  	s4 =	sadd.s32 s4, s26;
	s8 =	sadd.s32 s10, s29;
	s10 =	sadd.s32 s30, s10  }
0x10: {  	s6 =	sadd.s32 $0x800, s5;
	s26 =	simm.s32 $0x8;
	s10 =	sadd.s32 s31, s10  }
0x11: {  	s7 =	sadd.s32 $0x63000, s8;
	s8 =	sadd.s32 $0x63800, s8;
	s10 =	sadd.s32 $0x1800, s10  }
.LBB2_1:
0x12: {  	[tilespmem:s2], [sflag:$0x9] =	stream.linear.gather [hbm4b:s4+s2], $0x6400, $0x38;
	[tilespmem:$0x16400] =	vst v63  }
0x13: {  	_ =	swait.ge [sflag:s11], $0x6400  }
0x14: {  	[sflag:s11] =	ssyncset.done $0x0  }
0x15: {  	[sflag:s11] =	ssyncadd.s32 $0xFFFF9C00  }
0x16: {  	[tilespmem:s13], [sflag:$0x1] =	stream.indirect.gather [hbm4b:s3+s12], $0x80, s2, s12, $0xb8;
	[tilespmem:$0x16400] =	vst v63  }
0x17: {  	_ = 	snop  }
0x18: {  	[tilespmem:s14], [sflag:$0x2] =	stream.indirect.gather [hbm4b:s3+s12], $0x80, s12, s12, $0xb8;
	[tilespmem:$0x16400] =	vst v63  }
0x19: {  	_ =	swait.ge [sflag:s15], $0x4000  }
0x1a: {  	[sflag:s15] =	ssyncset.done $0x0  }
0x1b: {  	[sflag:s15] =	ssyncadd.s32 $0xFFFFC000  }
0x1c: {  	[hbm4b:s5+s2] =	stream.linear.scatter [tilespmem:s13], [sflag:$0x5], $0x4000, $0x38;
	[tilespmem:$0x16400] =	vst v63  }
0x1d: {  	_ = 	snop  }
0x1e: {  	[tilespmem:s17], [sflag:$0x3] =	stream.indirect.gather [hbm4b:s3+s12], $0x80, s16, s12, $0xb8;
	[tilespmem:$0x16400] =	vst v63  }
0x1f: {  	_ =	swait.ge [sflag:s18], $0x4000  }
0x20: {  	[sflag:s18] =	ssyncset.done $0x0  }
0x21: {  	[sflag:s18] =	ssyncadd.s32 $0xFFFFC000  }
0x22: {  	[hbm4b:s6+s2] =	stream.linear.scatter [tilespmem:s14], [sflag:$0x6], $0x4000, $0x38;
	[tilespmem:$0x16400] =	vst v63  }
0x23: {  	_ = 	snop  }
0x24: {  	[tilespmem:s20], [sflag:$0x4] =	stream.indirect.gather [hbm4b:s3+s12], $0x80, s19, s12, $0xb8;
	[tilespmem:$0x16400] =	vst v63  }
0x25: {  	_ =	swait.ge [sflag:s21], $0x4000  }
0x26: {  	[sflag:s21] =	ssyncset.done $0x0  }
0x27: {  	s29 =	sadd.s32 $0xFFFFF800, s10;
	[sflag:s21] =	ssyncadd.s32 $0xFFFFC000  }
0x28: {  	[hbm4b:s29+s2] =	stream.linear.scatter [tilespmem:s17], [sflag:$0x7], $0x4000, $0x38;
	[tilespmem:$0x16400] =	vst v63  }
0x29: {  	_ =	swait.ge [sflag:s22], $0x4000  }
0x2a: {  	[sflag:s22] =	ssyncset.done $0x0  }
0x2b: {  	s29 =	simm.s32 $0x200;
	[sflag:s22] =	ssyncadd.s32 $0xFFFFC000  }
0x2c: {  	[tilespmem:s13], [sflag:$0x1] =	stream.indirect.gather [hbm4b:s3+s12], $0x80, s29, s12, $0xb8;
	[tilespmem:$0x16400] =	vst v63  }
0x2d: {  	_ =	swait.ge [sflag:s23], $0x4000  }
0x2e: {  	[sflag:s23] =	ssyncset.done $0x0  }
0x2f: {  	[sflag:s23] =	ssyncadd.s32 $0xFFFFC000  }
0x30: {  	[hbm4b:s10+s2] =	stream.linear.scatter [tilespmem:s20], [sflag:$0x8], $0x4000, $0x38;
	[tilespmem:$0x16400] =	vst v63  }
0x31: {  	_ =	swait.ge [sflag:s24], $0x4000  }
0x32: {  	[sflag:s24] =	ssyncset.done $0x0  }
0x33: {  	s29 =	simm.s32 $0x280;
	[sflag:s24] =	ssyncadd.s32 $0xFFFFC000  }
0x34: {  	[tilespmem:s14], [sflag:$0x2] =	stream.indirect.gather [hbm4b:s3+s12], $0x80, s29, s12, $0xb8;
	[tilespmem:$0x16400] =	vst v63  }
0x35: {  	_ =	swait.ge [sflag:s15], $0x4000  }
0x36: {  	[sflag:s15] =	ssyncset.done $0x0  }
0x37: {  	s29 =	sadd.s32 $0x800, s10;
	[sflag:s15] =	ssyncadd.s32 $0xFFFFC000  }
0x38: {  	[hbm4b:s29+s2] =	stream.linear.scatter [tilespmem:s13], [sflag:$0x5], $0x4000, $0x38;
	[tilespmem:$0x16400] =	vst v63  }
0x39: {  	_ =	swait.ge [sflag:s25], $0x4000  }
0x3a: {  	[sflag:s25] =	ssyncset.done $0x0  }
0x3b: {  	s29 =	simm.s32 $0x300;
	[sflag:s25] =	ssyncadd.s32 $0xFFFFC000  }
0x3c: {  	[tilespmem:s17], [sflag:$0x3] =	stream.indirect.gather [hbm4b:s3+s12], $0x80, s29, s12, $0xb8;
	[tilespmem:$0x16400] =	vst v63  }
0x3d: {  	_ =	swait.ge [sflag:s18], $0x4000  }
0x3e: {  	[sflag:s18] =	ssyncset.done $0x0  }
0x3f: {  	s29 =	sadd.s32 $0x1000, s10;
	[sflag:s18] =	ssyncadd.s32 $0xFFFFC000  }
0x40: {  	[hbm4b:s29+s2] =	stream.linear.scatter [tilespmem:s14], [sflag:$0x6], $0x4000, $0x38;
	[tilespmem:$0x16400] =	vst v63  }
0x41: {  	_ =	swait.ge [sflag:s26], $0x4000  }
0x42: {  	s31 =	simm.s32 $0x380;
	[sflag:s26] =	ssyncset.done $0x0  }
0x43: {  	s30 =	sadd.s32 $0x2000, s10;
	s29 =	simm.s32 $0x800;
	[sflag:s26] =	ssyncadd.s32 $0xFFFFC000  }
.LBB2_2:
0x44: {  	[tilespmem:s20], [sflag:$0x4] =	stream.indirect.gather [hbm4b:s3+s12], $0x80, s31, s12, $0xb8;
	[tilespmem:$0x16400] =	vst v63  }
0x45: {  	s31 =	smov.u32 s29  }
0x46: {  	p0 =	sne.s32 s29, $0x18000;
	s29 =	sadd.s32 $0x800, s29;
	_ =	swait.ge [sflag:s21], $0x4000  }
0x47: {  	[sflag:s21] =	ssyncset.done $0x0  }
0x48: {  	s0 =	sadd.s32 $0xFFFFF800, s30;
	[sflag:s21] =	ssyncadd.s32 $0xFFFFC000  }
0x49: {  	[hbm4b:s0+s2] =	stream.linear.scatter [tilespmem:s17], [sflag:$0x7], $0x4000, $0x38;
	[tilespmem:$0x16400] =	vst v63  }
0x4a: {  	_ =	swait.ge [sflag:s22], $0x4000  }
0x4b: {  	s0 =	sshra.s32 s31, $0x2;
	[sflag:s22] =	ssyncset.done $0x0  }
0x4c: {  	s31 =	sadd.s32 $0x200, s0;
	[sflag:s22] =	ssyncadd.s32 $0xFFFFC000  }
0x4d: {  	[tilespmem:s13], [sflag:$0x1] =	stream.indirect.gather [hbm4b:s3+s12], $0x80, s31, s12, $0xb8;
	[tilespmem:$0x16400] =	vst v63  }
0x4e: {  	_ =	swait.ge [sflag:s23], $0x4000  }
0x4f: {  	[sflag:s23] =	ssyncset.done $0x0  }
0x50: {  	[sflag:s23] =	ssyncadd.s32 $0xFFFFC000  }
0x51: {  	[hbm4b:s30+s2] =	stream.linear.scatter [tilespmem:s20], [sflag:$0x8], $0x4000, $0x38;
	[tilespmem:$0x16400] =	vst v63  }
0x52: {  	_ =	swait.ge [sflag:s24], $0x4000  }
0x53: {  	[sflag:s24] =	ssyncset.done $0x0  }
0x54: {  	s31 =	sadd.s32 $0x280, s0;
	[sflag:s24] =	ssyncadd.s32 $0xFFFFC000  }
0x55: {  	[tilespmem:s14], [sflag:$0x2] =	stream.indirect.gather [hbm4b:s3+s12], $0x80, s31, s12, $0xb8;
	[tilespmem:$0x16400] =	vst v63  }
0x56: {  	_ =	swait.ge [sflag:s15], $0x4000  }
0x57: {  	[sflag:s15] =	ssyncset.done $0x0  }
0x58: {  	s31 =	sadd.s32 $0x800, s30;
	[sflag:s15] =	ssyncadd.s32 $0xFFFFC000  }
0x59: {  	[hbm4b:s31+s2] =	stream.linear.scatter [tilespmem:s13], [sflag:$0x5], $0x4000, $0x38;
	[tilespmem:$0x16400] =	vst v63  }
0x5a: {  	_ =	swait.ge [sflag:s25], $0x4000  }
0x5b: {  	[sflag:s25] =	ssyncset.done $0x0  }
0x5c: {  	s31 =	sadd.s32 $0x300, s0;
	[sflag:s25] =	ssyncadd.s32 $0xFFFFC000  }
0x5d: {  	[tilespmem:s17], [sflag:$0x3] =	stream.indirect.gather [hbm4b:s3+s12], $0x80, s31, s12, $0xb8;
	[tilespmem:$0x16400] =	vst v63  }
0x5e: {  	_ =	swait.ge [sflag:s18], $0x4000  }
0x5f: {  	[sflag:s18] =	ssyncset.done $0x0  }
.Ltmp0:
0x60: {  	s31 =	sadd.s32 $0x1000, s30;
	[sflag:s18] =	ssyncadd.s32 $0xFFFFC000;
	(pc) =	sbr.rel @p0 .LBB2_2-.Ltmp0, $4  }
0x61: {  	[hbm4b:s31+s2] =	stream.linear.scatter [tilespmem:s14], [sflag:$0x6], $0x4000, $0x38;
	[tilespmem:$0x16400] =	vst v63  }
0x62: {  	_ =	swait.ge [sflag:s26], $0x4000  }
0x63: {  	[sflag:s26] =	ssyncset.done $0x0  }
0x64: {  	s30 =	sadd.s32 $0x2000, s30;
	s31 =	sadd.s32 $0x380, s0;
	[sflag:s26] =	ssyncadd.s32 $0xFFFFC000  }
0x65: {  	[tilespmem:s20], [sflag:$0x4] =	stream.indirect.gather [hbm4b:s3+s12], $0x80, s31, s12, $0xb8;
	[tilespmem:$0x16400] =	vst v63  }
0x66: {  	_ =	swait.ge [sflag:s21], $0x4000  }
0x67: {  	[sflag:s21] =	ssyncset.done $0x0  }
0x68: {  	[sflag:s21] =	ssyncadd.s32 $0xFFFFC000  }
0x69: {  	[hbm4b:s7+s2] =	stream.linear.scatter [tilespmem:s17], [sflag:$0x7], $0x4000, $0x38;
	[tilespmem:$0x16400] =	vst v63  }
0x6a: {  	_ =	swait.ge [sflag:s23], $0x4000  }
0x6b: {  	[sflag:s23] =	ssyncset.done $0x0  }
0x6c: {  	[sflag:s23] =	ssyncadd.s32 $0xFFFFC000  }
0x6d: {  	[hbm4b:s8+s2] =	stream.linear.scatter [tilespmem:s20], [sflag:$0x8], $0x4000, $0x38;
	[tilespmem:$0x16400] =	vst v63  }
0x6e: {  	_ =	swait.ge [sflag:s22], $0x4000  }
0x6f: {  	[sflag:s22] =	ssyncset.done $0x0  }
0x70: {  	[sflag:s22] =	ssyncadd.s32 $0xFFFFC000  }
0x71: {  	_ =	swait.ge [sflag:s24], $0x4000  }
0x72: {  	[sflag:s24] =	ssyncset.done $0x0  }
0x73: {  	s28 =	sadd.s32 $0x1, s28;
	[sflag:s24] =	ssyncadd.s32 $0xFFFFC000  }
0x74: {  	p0 =	sne.s32 s28, s9;
	_ =	swait.ge [sflag:s25], $0x4000  }
.Ltmp1:
0x75: {  	[sflag:s25] =	ssyncset.done $0x0;
	(pc) =	sbr.rel @p0 .LBB2_1-.Ltmp1, $4  }
0x76: {  	[sflag:s25] =	ssyncadd.s32 $0xFFFFC000  }
0x77: {  	_ =	swait.ge [sflag:s26], $0x4000  }
0x78: {  	[sflag:s26] =	ssyncset.done $0x0  }
0x79: {  	[sflag:s26] =	ssyncadd.s32 $0xFFFFC000  }
0x7a: {  	_ =	sfence.sel $0x180000  }
0x7b: {  	[bflag:$0x0] =	sbarrier.arrive $0xFFFF  }
0x7c: {  	_ =	strace $0x90000047  }
0x7d: {  	[bflag:$0x2] =	sbarrier.arrive $0xFFFF  }
0x7e: {  	p0 =	sne.s32 s1, $0x0;
	s0 =	rddreg [dreg:$0x2]  }
0x7f: {  	s0 =	sadd.s32 @!p0 $0x100000, s0  }
0x80: {  	[sflag:s0] =	ssyncadd.tile.s32 @!p0 $0x1;
	_ =	shalt  }
.Lfunc_end2:
_tile_overlayer_lowered:
.L_overlay_start_2:
0x81: {  	(tag) =	ssettag $0x2  }
0x82: {  	s0 =	rddreg [dreg:$0x0];
	s2 =	stileid.u32  }
0x83: {  	s1 =	rddreg [dreg:$0x1];
	p0 =	sne.s32 s2, $0x0  }
0x84: {  	s3 =	rddreg [dreg:$0x2];
	[bflag:$0x3] =	sbarrier.arrive $0xFFFF;
	s2 =	simm.s32 @!p0 $0x1C0A  }
0x85: {  	[timem:s3], [sflag:s2] =	dma.local @!p0 [hbm:s0], s1  }
0x86: {  	s0 =	simm.s32 @!p0 $0xA  }
0x87: {  	_ =	swait.ge @!p0 [sflag:s0], s1  }
0x88: {  	s1 =	ssub.s32 @!p0 $0x0, s1;
	[sflag:s0] =	ssyncset.done @!p0 $0x0  }
0x89: {  	[sflag:s0] =	ssyncadd.s32 @!p0 s1  }
0x8a: {  	[bflag:$0x3] =	sbarrier.arrive $0xFFFF  }
0x8b: {  	_ =	shalt  }

// kernel: sparse-core-data-format-call.cloned.1.call-start
scs
called_computation_lowered:
.L_overlay_start_0:
0x0: {  	s2 =	sld [smem:$0x3FD9]  }
0x1: {  	s3 =	sld [smem:$0x3FFE];
	_ =	sdelay $0x1  }
0x2: {  	s1 =	srdreg.scid  }
0x3: {  	s0 =	sand.u32 $0x1, s1  }
0x4: {  	s18 =	sshll.u32 s0, $0xA;
	s2 =	sadd.s32 s3, s2  }
0x5: {  	s2 =	sadd.s32 s2, s18  }
0x6: {  	[smem:$0x3FC6] =	sst s2  }
0x7: {  	_ = 	snop  }
0x8: {  	s2 =	sld [smem:$0x3FD0];
	(tm) =	ssettm $0x1  }
0x9: {  	s19 =	sld [smem:$0x3FFB];
	_ =	sdelay $0x3  }
0xa: {  	_ =	strace s19  }
0xb: {  	s3 =	sld [smem:$0x3FFC];
	_ =	sdelay $0x3  }
0xc: {  	_ =	strace s3  }
0xd: {  	s3 =	sld [smem:$0x3FFD];
	_ =	sdelay $0x3  }
0xe: {  	_ =	strace s3  }
0xf: {  	_ =	strace $0x8FFFFFFF  }
0x10: {  	s20 =	sld [smem:$0x3FDB];
	_ =	sdelay $0x1  }
0x11: {  	s4 =	simm.s32 $_scs_section_size  }
0x12: {  	s5 =	simm.s32 $_size__tile_overlayer_lowered;
	s6 =	simm.s32 $_tile_overlayer_lowered  }
0x13: {  	s23 =	simm.s32 $0x1BFF;
	s22 =	sshll.u32 s6, $0x1;
	s3 =	sadd.s32 s4, s20  }
0x14: {  	s7 =	simm.s32 $0x0;
	s21 =	sshll.u32 s5, $0x1;
	s5 =	sadd.s32 s22, s3  }
0x15: {  	[timem:s7], [sflag:s23] =	dma.local [hbm:s5], s21  }
0x16: {  	_ =	swait.ge [sflag:s23], s21  }
0x17: {  	s4 =	ssub.s32 $0x0, s21;
	[sflag:s23] =	ssyncset.done $0x0  }
0x18: {  	[sflag:s23] =	ssyncadd.s32 s4;
	_ =	sdelay $0x1  }
0x19: {  	s24 =	simm.s32 $0x1B8B  }
0x1a: {  	_ =	swait.ge [sflag:s24], $0x1  }
0x1b: {  	[sflag:s24] =	ssyncset.done $0x0  }
0x1c: {  	s26 =	simm.s32 $0x1B8E;
	s25 =	sld [smem:$0x3FFE];
	[sflag:s24] =	ssyncadd.s32 $0xFFFFFFFF  }
0x1d: {  	s27 =	simm.s32 $execute0_lowered;
	[smem:$0x3FD2] =	sst s26  }
0x1e: {  	s5 =	sshll.u32 s27, $0x1;
	_ =	strace $0x80000049;
	[dreg:$0x1] =	wrdreg $0xFFFFFFFF  }
0x1f: {  	s28 =	simm.s32 $_size_execute0_lowered;
	s3 =	sadd.s32 s3, s5;
	[dreg:$0x0] =	wrdreg $0x0  }
0x20: {  	s5 =	sshll.u32 s28, $0x1;
	[dreg:$0x2] =	wrdreg s3  }
0x21: {  	[dreg:$0x3] =	wrdreg s5  }
0x22: {  	[dreg:$0x4] =	wrdreg $0xC0  }
0x23: {  	_ =	task [dreg:s7], $0x5FFFF  }
0x24: {  	[dreg:$0x1] =	wrdreg $0xFFFFFFFF  }
0x25: {  	[dreg:$0x0] =	wrdreg $0x60  }
0x26: {  	[dreg:$0x2] =	wrdreg s25  }
0x27: {  	[dreg:$0x3] =	wrdreg s2  }
0x28: {  	[dreg:$0x4] =	wrdreg $0x9  }
0x29: {  	_ =	task.clear_ibuf [dreg:s7], $0x5FFFF;
	_ =	strace $0x90000049  }
0x2a: {  	s29 =	simm.s32 $0x9;
	_ =	strace $0x8000004B  }
0x2b: {  	_ =	swait.ge [sflag:s29], $0x1  }
0x2c: {  	[sflag:s29] =	ssyncadd.s32 $0xFFFFFFFF  }
0x2d: {  	_ =	strace $0x9000004B  }
0x2e: {  	_ =	sfence  }
0x2f: {  	s30 =	sld [smem:$0x0];
	_ =	sdelay $0x2  }
0x30: {  	s31 =	sshll.u32 s1, $0xD;
	s1 =	sshrl.u32 s1, $0x2  }
0x31: {  	s3 =	sand.u32 $0x4000, s31;
	s1 =	sadd.s32 s1, s30  }
0x32: {  	s0 =	sor.u32 s3, s0;
	s1 =	sshll.u32 s1, $0x11  }
0x33: {  	s0 =	sor.u32 s1, s0  }
0x34: {  	s0 =	sadd.s32 $0x8F2B, s0  }
0x35: {  	[sflag:s0] =	ssyncadd.remote.s32 $0x1  }
0x36: {  	_ =	sfence.sel $0xFFFF  }
0x37: {  	[dreg:$0x0] =	wrdreg $0xFFFFFFFF;
	(pc) =	sbr.abs _section_cstart, $3  }
0x38: {  	[dreg:$0x1] =	wrdreg $0xFFFFFFFF  }
0x39: {  	_ =	task.clear_ibuf [dreg:s7], $0x2FFFF;
	_ =	strace $0x9FFFFFFF  }
0x3a: {  	(tm) =	ssettm $0x7FFFFFFF  }
0x3b: {  	_ =	shalt  }
tec
execute0_lowered:
.L_overlay_start_1:
0x0: {  	(tag) =	ssettag $0x1  }
0x1: {  	s0 =	srdreg.scid  }
0x2: {  	s1 =	sshll.u32 s0, $0x4  }
0x3: {  	s0 =	stileid.u32;
	s1 =	sand.u32 $0x10, s1  }
0x4: {  	s1 =	sor.u32 s0, s1  }
0x5: {  	s6 =	rddreg [dreg:$0x0];
	s4 =	simm.s32 $0x1;
	s2 =	sshll.u32 s1, $0x7  }
0x6: {  	s7 =	simm.s32 $0x2;
	s12 =	simm.s32 $0x0;
	s1 =	ssub.s32 $0x1000, s2  }
0x7: {  	s8 =	simm.s32 $0x8000;
	s13 =	simm.s32 $0x0;
	s3 =	sand.u32 $0xF80, s1  }
0x8: {  	s9 =	simm.s32 $0x0;
	s5 =	sshrl.u32 s1, $0xC;
	p0 =	sne.s32 s3, $0x0  }
.Ltmp0:
0x9: {  	s1 =	rddreg [dreg:$0x2];
	s4 =	simm.s32 @!p0 $0x0;
	(pc) =	sbr.rel .LBB1_1-.Ltmp0, $4  }
0xa: {  	s11 =	simm.s32 $0x0;
	s3 =	rddreg [dreg:$0x1];
	s5 =	sadd.s32 s4, s5  }
0xb: {  	_ =	strace $0x8000004A;
	s4 =	simm.s32 $0x1;
	s5 =	smul.u32 $0xC8, s5  }
0xc: {  	s6 =	sadd.s32 $0xA00, s6;
	s10 =	smov.u32 s2;
	[sflag:s4] =	ssyncpa.u1 $0x0  }
0xd: {  	p0 =	por $0x0, $0x0;
	[sflag:s7] =	ssyncpa.u1 $0x0;
	s7 =	sor.u32 $0x1, s5  }
.LBB1_4:
0xe: {  	s16 =	sshll.u32 s13, $0x3;
	s17 =	sand.u32 $0x78, s13  }
0xf: {  	s30 =	sand.u32 $0x7E00, s13;
	s12 =	sshll.u32 s12, $0xF;
	s16 =	sand.u32 $0xC00, s16  }
0x10: {  	[tilespmem:s15+$0x810 ss:$0x81] =	vst.msk $0xffff, v2;
	s31 =	sand.u32 $0x7, s13;
	s16 =	sor.u32 s17, s16;
	s17 =	sadd.s32 s3, s30  }
0x11: {  	[tilespmem:s15+$0x1020 ss:$0x81] =	vst.msk $0xffff, v0;
	s13 =	sshll.u32 s31, $0x12;
	s12 =	sadd.s32 s12, s17;
	s16 =	sshrl.u32 s16, $0x3  }
0x12: {  	[tilespmem:s15+$0x0 ss:$0x81] =	vst.msk $0xffff, v1;
	s13 =	sor.u32 $0x400, s13;
	s12 =	sadd.s32 s16, s12  }
0x13: {  	[hbm4b:s12+s13] =	stream.strided.scatter [tilespmem:s14], [sflag:$0x2], $0x2000, s8, s13, $0x20;
	[tilespmem:$0x8080] =	vst v63  }
.LBB1_5:
0x14: {  	s14 =	sadd.s32 $0x1, s9  }
0x15: {  	s12 =	sadd.s32 $0x1000, s10;
	s16 =	smov.u32 s10;
	p2 =	sgt.s32 s14, $0xC7  }
0x16: {  	s16 =	smov.u32 @p2 s12  }
0x17: {  	s14 =	simm.s32 @p2 $0x0;
	p2 =	sgt.s32 s16, $0xFFF  }
0x18: {  	s16 =	smov.u32 @p2 s2;
	p2 =	sne.s32 s11, s7  }
.Ltmp1:
0x19: {  	p1 =	slt.u32 s11, $0x2;
	(pc) =	sbr.rel @!p2 .LBB1_6-.Ltmp1, $4  }
0x1a: {  	s15 =	simm.s32 @!p1 $0x2  }
0x1b: {  	s13 =	smov.u32 s10;
	p0 =	por !p0, !p0;
	_ =	swait.ge @!p1 [sflag:s15], $0x2000  }
0x1c: {  	s12 =	smov.u32 s9;
	[sflag:s15] =	ssyncset.done @!p1 $0x0;
	s9 =	smov.u32 s14  }
0x1d: {  	s11 =	sadd.s32 $0x1, s11;
	[sflag:s15] =	ssyncadd.s32 @!p1 $0xFFFFE000;
	s10 =	smov.u32 s16  }
.LBB1_1:
0x1e: {  	p1 =	sge.u32 s11, s5  }
0x1f: {  	s14 =	sand.u32 @!p1 $0x1FFFFFF, s9  }
0x20: {  	s15 =	smulhi.u32 @!p1 $0x147AE15, s14;
	_ =	sdelay $0x1  }
0x21: {  	s15 =	smul.u32 @!p1 $0xC8, s15  }
0x22: {  	s16 =	sxor.u32 @!p1 $0xFFFFFFFF, s11;
	s17 =	smul.u32 @!p1 $0xC80, s10  }
0x23: {  	s31 =	sadd.s32 $0xFFFFFFFF, s11;
	s16 =	sshll.u32 @!p1 s16, $0xD;
	s14 =	ssub.s32 @!p1 s14, s15  }
0x24: {  	s15 =	sand.u32 @!p1 $0x2000, s16;
	s16 =	sadd.s32 @!p1 s6, s17;
	s14 =	sshll.u32 @!p1 s14, $0x4  }
0x25: {  	s17 =	simm.s32 @!p1 $0x6400;
	s14 =	sadd.s32 @!p1 s14, s16;
	s16 =	simm.s32 @!p1 $0x40  }
0x26: {  	[tilespmem:s15], [sflag:$0x1] =	stream.strided.gather @!p1 [hbm4b:s14+s16], $0x2000, s17, s16, $0x38;
	[tilespmem:$0x8080] =	vst v63  }
0x27: {  	p1 =	sge.u32 s31, s5  }
.Ltmp2:
0x28: {  	_ = 	snop;
	(pc) =	sbr.rel @p1 .LBB1_5-.Ltmp2, $1  }
0x29: {  	_ =	sdelay $0x3  }
0x2a: {  	s14 =	simm.s32 $0x1  }
0x2b: {  	_ =	swait.ge [sflag:s4], $0x2000;
	s14 =	simm.s32 @!p0 $0x0  }
0x2c: {  	[sflag:s4] =	ssyncset.done $0x0;
	s15 =	sshll.u32 s14, $0xD  }
0x2d: {  	[sflag:s4] =	ssyncadd.s32 $0xFFFFE000;
	s18 =	sor.u32 $0x20, s15  }
0x2e: {  	s14 =	smul.u32 $0x8100, s14;
	v3 =	vld [tilespmem:s18+$0x10]  }
0x2f: {  	s30 =	sand.u32 $0x1, s11;
	v2 =	vld [tilespmem:s18+$0xFFFFFFF0]  }
0x30: {  	s15 =	smul.u32 $0x8100, s30;
	s14 =	sshrl.u32 s14, $0x2;
	v0 =	vld [tilespmem:s18+$0x0]  }
0x31: {  	v1 =	vld [tilespmem:s18+$0xFFFFFFE0];
	s16 =	sor.u32 $0x4000, s14  }
0x32: {  	s31 =	sshrl.u32 s15, $0x2;
	s15 =	sadd.s32 $0x0, s16  }
0x33: {  	s17 =	simm.s32 $0x4;
	s18 =	sadd.s32 $0x40, s18;
	s14 =	sor.u32 $0x4000, s31;
	[tilespmem:s15+$0x1830 ss:$0x81] =	vst.msk $0xffff, v3  }
.LBB1_3:
0x34: {  	v3 =	vld [tilespmem:s18+$0x10];
	p1 =	sne.s32 s17, $0x1FC;
	[tilespmem:s15+$0x810 ss:$0x81] =	vst.msk $0xffff, v2;
	s19 =	smov.u32 s17;
	s17 =	sadd.s32 $0x4, s17  }
.Ltmp3:
0x35: {  	v2 =	vld [tilespmem:s18+$0xFFFFFFF0];
	[tilespmem:s15+$0x1020 ss:$0x81] =	vst.msk $0xffff, v0;
	(pc) =	sbr.rel @p1 .LBB1_3-.Ltmp3, $4  }
0x36: {  	v0 =	vld [tilespmem:s18+$0x0];
	[tilespmem:s15+$0x0 ss:$0x81] =	vst.msk $0xffff, v1  }
0x37: {  	s15 =	sshra.s32 s19, $0x2;
	v1 =	vld [tilespmem:s18+$0xFFFFFFE0]  }
0x38: {  	s15 =	sadd.s32 s15, s16  }
0x39: {  	s18 =	sadd.s32 $0x40, s18;
	[tilespmem:s15+$0x1830 ss:$0x81] =	vst.msk $0xffff, v3  }
.Ltmp4:
0x3a: {  	_ = 	snop;
	(pc) =	sbr.rel .LBB1_4-.Ltmp4, $1  }
0x3b: {  	_ =	sdelay $0x3  }
.LBB1_6:
0x3c: {  	_ =	sfence.sel $0x180000  }
0x3d: {  	s2 =	simm.s32 $0x1;
	[bflag:$0x0] =	sbarrier.arrive $0xFFFF  }
0x3e: {  	s31 =	simm.s32 $0x2;
	[sflag:s2] =	ssyncpa.u1 $0x1  }
0x3f: {  	[sflag:s31] =	ssyncpa.u1 $0x1  }
0x40: {  	p0 =	sne.s32 s0, $0x0;
	_ =	strace $0x9000004A  }
0x41: {  	s0 =	sadd.s32 @!p0 $0x100000, s1;
	[bflag:$0x2] =	sbarrier.arrive $0xFFFF  }
0x42: {  	[sflag:s0] =	ssyncadd.tile.s32 @!p0 $0x1;
	_ =	shalt  }
.Lfunc_end1:
_tile_overlayer_lowered:
.L_overlay_start_2:
0x43: {  	(tag) =	ssettag $0x2  }
0x44: {  	s0 =	rddreg [dreg:$0x0];
	s2 =	stileid.u32  }
0x45: {  	s1 =	rddreg [dreg:$0x1];
	p0 =	sne.s32 s2, $0x0  }
0x46: {  	s3 =	rddreg [dreg:$0x2];
	[bflag:$0x3] =	sbarrier.arrive $0xFFFF;
	s2 =	simm.s32 @!p0 $0x1C01  }
0x47: {  	[timem:s3], [sflag:s2] =	dma.local @!p0 [hbm:s0], s1  }
0x48: {  	s0 =	simm.s32 @!p0 $0x1  }
0x49: {  	_ =	swait.ge @!p0 [sflag:s0], s1  }
0x4a: {  	s1 =	ssub.s32 @!p0 $0x0, s1;
	[sflag:s0] =	ssyncset.done @!p0 $0x0  }
0x4b: {  	[sflag:s0] =	ssyncadd.s32 @!p0 s1  }
0x4c: {  	[bflag:$0x3] =	sbarrier.arrive $0xFFFF  }
0x4d: {  	_ =	shalt  }

</sc_bundles>
